<compile_context>
chip_gen: v7x
topology: tpu7x:2x2x1
jax: 0.10.2.dev20260603
libtpu: 0.0.44.dev20260713+nightly
codegen_flags: <defaults>
</compile_context>

<pallas_src>
import functools

import jax
import jax.numpy as jnp
import numpy as np
from jax import lax
from jax.experimental import pallas as pl
from jax.experimental.pallas import tpu as pltpu
from jax.experimental.pallas import tpu_sc as plsc

N = 10000
E = 320000
D = 128
DE = 4
NC = 1
NG = 8

SC_CORES = 2
SC_TILES = 16
NW = SC_CORES * SC_TILES
CHUNK = 128
NCHUNK = E // CHUNK
NL = (NCHUNK + NW - 1) // NW
E_PAD = E
N_PAD = 10112
ROWS_PER_TILE = N_PAD // SC_TILES
EM_W = D // 2
MASK_HI = np.int32(-65536)


def _xm_body(x_ref, w1_ref, b_ref, o_ref):
    o_ref[...] = (
        jnp.dot(x_ref[...], w1_ref[...], preferred_element_type=jnp.float32)
        + b_ref[...]
    )


def _em_body(ea_ref, w2lo_ref, w2hi_ref, o_ref):
    lo = jnp.dot(ea_ref[...], w2lo_ref[...], preferred_element_type=jnp.float32)
    hi = jnp.dot(ea_ref[...], w2hi_ref[...], preferred_element_type=jnp.float32)
    lo_u = lax.shift_right_logical(lax.bitcast_convert_type(lo, jnp.int32), 16)
    hi_u = lax.bitcast_convert_type(hi, jnp.int32) & MASK_HI
    o_ref[...] = lo_u | hi_u


def _sc_agg_body(xm_hbm, em_hbm, ei_hbm, out_hbm,
                 idx0, idx1, rows0, rows1, em0, em1, agg_sh,
                 sg0, sg1, ss0, ss1, se0, se1):
    cid = lax.axis_index("c")
    sid = lax.axis_index("s")
    wid = sid * SC_CORES + cid
    zvec = jnp.zeros((16,), jnp.float32)

    def zero_body(i, _):
        r = i // (D // 16)
        j = i % (D // 16)
        rows0[r, pl.ds(j * 16, 16)] = zvec
        return 0

    lax.fori_loop(0, CHUNK * (D // 16), zero_body, 0)
    base_row = sid * ROWS_PER_TILE
    for i in range(ROWS_PER_TILE // CHUNK):
        pltpu.sync_copy(rows0, agg_sh.at[pl.ds(base_row + i * CHUNK, CHUNK)])
    rem = ROWS_PER_TILE % CHUNK
    pltpu.sync_copy(
        rows0.at[pl.ds(0, rem)],
        agg_sh.at[pl.ds(base_row + ROWS_PER_TILE - rem, rem)],
    )
    plsc.subcore_barrier()

    def compute(rv, ev):
        @plsc.parallel_loop(0, CHUNK // 2, step=1, unroll=2)
        def row_body(rp):
            results = []
            for h in range(2):
                r = 2 * rp + h
                for g in range(D // 32):
                    pk = ev[rp, pl.ds(h * 64 + g * 16, 16)]
                    even = lax.bitcast_convert_type(pk << 16, jnp.float32)
                    odd = lax.bitcast_convert_type(pk & MASK_HI, jnp.float32)
                    lo = rv[r, pl.ds(g * 32, 16)] + even
                    hi = rv[r, pl.ds(g * 32 + 16, 16)] + odd
                    results.append((r, g, jnp.maximum(lo, 0.0),
                                    jnp.maximum(hi, 0.0)))
            for r, g, lo, hi in results:
                rv[r, pl.ds(g * 32, 16)] = lo
                rv[r, pl.ds(g * 32 + 16, 16)] = hi

    bufs = ((idx0, rows0, em0, sg0, ss0, se0),
            (idx1, rows1, em1, sg1, ss1, se1))

    def issue_em(c, ev, se):
        pltpu.async_copy(
            em_hbm.at[pl.ds(c * (CHUNK // 2), CHUNK // 2)], ev, se)

    def start_chunk(i, first, idx, rv, ev, sg, ss, se):
        c = i * NW + wid

        @pl.when(c < NCHUNK)
        def _():
            @pl.when(jnp.logical_not(first))
            def _():
                pltpu.make_async_copy(rv, agg_sh.at[idx.at[1]], ss).wait()

            pltpu.sync_copy(ei_hbm.at[:, pl.ds(c * CHUNK, CHUNK)], idx)
            pltpu.async_copy(xm_hbm.at[idx.at[0]], rv, sg)

    def finish_chunk(i, idx, rv, ev, sg, ss, se):
        c = i * NW + wid

        @pl.when(c < NCHUNK)
        def _():
            pltpu.make_async_copy(xm_hbm.at[idx.at[0]], rv, sg).wait()
            pltpu.make_async_copy(
                em_hbm.at[pl.ds(0, CHUNK // 2)], ev, se).wait()
            compute(rv, ev)
            pltpu.async_copy(rv, agg_sh.at[idx.at[1]], ss, add=True)

            @pl.when(c + 2 * NW < NCHUNK)
            def _():
                issue_em(c + 2 * NW, ev, se)

    @pl.when(wid < NCHUNK)
    def _():
        issue_em(wid, em0, se0)

    @pl.when(NW + wid < NCHUNK)
    def _():
        issue_em(NW + wid, em1, se1)

    def pair_body(s, _):
        start_chunk(2 * s, s == 0, *bufs[0])
        start_chunk(2 * s + 1, s == 0, *bufs[1])
        finish_chunk(2 * s, *bufs[0])
        finish_chunk(2 * s + 1, *bufs[1])
        return 0

    lax.fori_loop(0, (NL + 1) // 2, pair_body, 0)
    pltpu.make_async_copy(rows0, agg_sh.at[idx0.at[1]], ss0).wait()
    pltpu.make_async_copy(rows1, agg_sh.at[idx1.at[1]], ss1).wait()
    plsc.subcore_barrier()

    pltpu.sync_copy(
        agg_sh.at[pl.ds(base_row, ROWS_PER_TILE)],
        out_hbm.at[cid, pl.ds(base_row, ROWS_PER_TILE)],
    )


_sc_agg = functools.partial(
    pl.kernel,
    out_type=jax.ShapeDtypeStruct((SC_CORES, N_PAD, D), jnp.float32),
    mesh=plsc.VectorSubcoreMesh(
        core_axis_name="c", subcore_axis_name="s",
        num_cores=SC_CORES, num_subcores=SC_TILES,
    ),
    scratch_types=[
        pltpu.VMEM((2, CHUNK), jnp.int32),
        pltpu.VMEM((2, CHUNK), jnp.int32),
        pltpu.VMEM((CHUNK, D), jnp.float32),
        pltpu.VMEM((CHUNK, D), jnp.float32),
        pltpu.VMEM((CHUNK // 2, D), jnp.int32),
        pltpu.VMEM((CHUNK // 2, D), jnp.int32),
        pltpu.VMEM_SHARED((N_PAD, D), jnp.float32),
        pltpu.SemaphoreType.DMA,
        pltpu.SemaphoreType.DMA,
        pltpu.SemaphoreType.DMA,
        pltpu.SemaphoreType.DMA,
        pltpu.SemaphoreType.DMA,
        pltpu.SemaphoreType.DMA,
    ],
)(_sc_agg_body)


def _upd_body(x_ref, a0_ref, a1_ref, cond_ref, glob_ref,
              wx_ref, wa_ref, wc_ref, wg_ref, b_ref, o_ref):
    acc = jnp.dot(x_ref[...], wx_ref[...], preferred_element_type=jnp.float32)
    agg = a0_ref[...] + a1_ref[...]
    acc += jnp.dot(agg, wa_ref[...], preferred_element_type=jnp.float32)
    acc += cond_ref[...] * wc_ref[...]
    acc += jnp.dot(glob_ref[...], wg_ref[...], preferred_element_type=jnp.float32)
    o_ref[...] = jnp.maximum(acc + b_ref[...], 0.0)


def kernel(x, edge_attr, cond, glob, W_msg, b_msg, W_upd, b_upd, edge_index):
    ei = edge_index.astype(jnp.int32)
    ea = edge_attr

    w1 = W_msg[:D]
    w2 = W_msg[D:]
    cols = np.arange(D).reshape(D // 32, 2, 16)
    lo_cols = cols[:, 0].reshape(-1)
    hi_cols = cols[:, 1].reshape(-1)
    zpad = jnp.zeros((DE, EM_W), jnp.float32)
    w2lo = jnp.concatenate([
        jnp.concatenate([w2[:, lo_cols], zpad], axis=1),
        jnp.concatenate([zpad, w2[:, lo_cols]], axis=1)], axis=0)
    w2hi = jnp.concatenate([
        jnp.concatenate([w2[:, hi_cols], zpad], axis=1),
        jnp.concatenate([zpad, w2[:, hi_cols]], axis=1)], axis=0)
    b_msg2 = b_msg.reshape(1, D)
    wx = W_upd[:D]
    wa = W_upd[D:2 * D]
    wc = W_upd[2 * D:2 * D + NC]
    wg = W_upd[2 * D + NC:]
    b_upd2 = b_upd.reshape(1, D)

    xm = pl.pallas_call(
        _xm_body,
        out_shape=jax.ShapeDtypeStruct((N, D), jnp.float32),
    )(x, w1, b_msg2)

    ea2 = ea.reshape(E_PAD // 2, 2 * DE)
    em = pl.pallas_call(
        _em_body,
        grid=(E_PAD // 2 // 2000,),
        in_specs=[
            pl.BlockSpec((2000, 2 * DE), lambda i: (i, 0)),
            pl.BlockSpec((2 * DE, D), lambda i: (0, 0)),
            pl.BlockSpec((2 * DE, D), lambda i: (0, 0)),
        ],
        out_specs=pl.BlockSpec((2000, D), lambda i: (i, 0)),
        out_shape=jax.ShapeDtypeStruct((E_PAD // 2, D), jnp.int32),
    )(ea2, w2lo, w2hi)

    agg2 = _sc_agg(xm, em, ei)

    out = pl.pallas_call(
        _upd_body,
        out_shape=jax.ShapeDtypeStruct((N, D), jnp.float32),
    )(x, agg2[0, :N], agg2[1, :N], cond, glob, wx, wa, wc, wg, b_upd2)
    return out

# --- scband reference (transcript-rebuilt; emitter-appended) ---
"""Pipeline reference for scband-model-class-65034394796425 (READ-ONLY COPY).

The authoritative reference and input builder live on the scoring server;
editing this copy changes nothing except your own understanding.
"""

import jax, jax.numpy as jnp
import numpy as np

N = 10000
E = 320000
D = 128
DE = 4
NC = 1
NG = 8


def setup_inputs(seed: int = 0) -> dict:
    key = jax.random.key(seed)
    ks = jax.random.split(key, 9)
    x = jax.random.normal(ks[0], (N, D), dtype=jnp.float32)
    edge_index = jax.random.randint(ks[1], (2, E), 0, N, dtype=jnp.int64)
    edge_attr = jax.random.normal(ks[2], (E, DE), dtype=jnp.float32)
    cond = jax.random.normal(ks[3], (N, NC), dtype=jnp.float32)
    glob = jax.random.normal(ks[4], (N, NG), dtype=jnp.float32)
    W_msg = jax.random.normal(ks[5], (D + DE, D), dtype=jnp.float32) * 0.05
    b_msg = jnp.zeros((D,), dtype=jnp.float32)
    W_upd = jax.random.normal(ks[6], (2 * D + NC + NG, D), dtype=jnp.float32) * 0.05
    b_upd = jnp.zeros((D,), dtype=jnp.float32)
    return {
        "x": x,
        "edge_attr": edge_attr,
        "cond": cond,
        "glob": glob,
        "W_msg": W_msg,
        "b_msg": b_msg,
        "W_upd": W_upd,
        "b_upd": b_upd,
        "edge_index": edge_index,
    }


def reference(x, edge_attr, cond, glob, W_msg, b_msg, W_upd, b_upd, edge_index):
    # Ancestor message-passing layer (MPLSeq core):
    # gather source-node features, concat with edge attributes, message MLP,
    # scatter-add aggregate onto destination nodes, then node-update MLP
    # conditioned on per-node cond and global features.
    src = edge_index[0]
    dst = edge_index[1]
    x_src = jnp.take(x, src, axis=0)  # gather [E, D]
    msg_in = jnp.concatenate([x_src, edge_attr], axis=-1)  # [E, D+DE]
    msg = jax.nn.relu(msg_in @ W_msg + b_msg)  # [E, D]
    agg = jax.ops.segment_sum(msg, dst, num_segments=x.shape[0])  # scatter-add [N, D]
    upd_in = jnp.concatenate([x, agg, cond, glob], axis=-1)  # [N, 2D+NC+NG]
    out = jax.nn.relu(upd_in @ W_upd + b_upd)  # [N, D]
    return out

if __name__ == "__main__":
    import jax
    _d = setup_inputs()
    print(jax.jit(kernel)(*tuple(_d.values())))

</pallas_src>

<mosaic_0001>
#map = affine_map<(d0, d1) -> (0, 0)>
#map1 = affine_map<(d0, d1) -> (0, 0, 0)>
module attributes {stable_mosaic.version = 14 : i64} {
  func.func @_sc_agg_body(%arg0: i32, %arg1: i32, %arg2: memref<10000x128xf32, #tpu.memory_space<hbm>>, %arg3: memref<160000x128xi32, #tpu.memory_space<hbm>>, %arg4: memref<2x320000xi32, #tpu.memory_space<hbm>>, %arg5: memref<2x10112x128xf32, #tpu.memory_space<hbm>>, %arg6: memref<2x128xi32, #tpu.memory_space<vmem>>, %arg7: memref<2x128xi32, #tpu.memory_space<vmem>>, %arg8: memref<128x128xf32, #tpu.memory_space<vmem>>, %arg9: memref<128x128xf32, #tpu.memory_space<vmem>>, %arg10: memref<64x128xi32, #tpu.memory_space<vmem>>, %arg11: memref<64x128xi32, #tpu.memory_space<vmem>>, %arg12: memref<10112x128xf32, #tpu.memory_space<vmem_shared>>, %arg13: memref<!tpu.dma_semaphore, #tpu.memory_space<semaphore_mem>>, %arg14: memref<!tpu.dma_semaphore, #tpu.memory_space<semaphore_mem>>, %arg15: memref<!tpu.dma_semaphore, #tpu.memory_space<semaphore_mem>>, %arg16: memref<!tpu.dma_semaphore, #tpu.memory_space<semaphore_mem>>, %arg17: memref<!tpu.dma_semaphore, #tpu.memory_space<semaphore_mem>>, %arg18: memref<!tpu.dma_semaphore, #tpu.memory_space<semaphore_mem>>) attributes {dimension_semantics = [#tpu.dimension_semantics<core_parallel>, #tpu.dimension_semantics<subcore_parallel>], iteration_bounds = array<i64: 2, 16>, scalar_prefetch = 0 : i64, scratch_operands = 13 : i64, tpu.core_type = #tpu.core_type<sc_vector_subcore>, window_params = [{transform_indices = #map}, {transform_indices = #map}, {transform_indices = #map}, {transform_indices = #map1}]} {
    %mul3A = arith.constant 2 : i32
    %mul3A_0 = arith.muli %arg1, %mul3A : i32
    %add3A = arith.addi %mul3A_0, %arg0 : i32
    %broadcast_in_dim3A = arith.constant 0.000000e+00 : f32
    %broadcast_in_dim3A_1 = vector.broadcast %broadcast_in_dim3A : f32 to vector<16xf32>
    %scan3A = arith.constant 0 : i32
    %scan3A_2 = arith.constant 0 : i32
    %scan3A_3 = arith.constant 1024 : i32
    %scan3A_4 = arith.addi %scan3A_2, %scan3A_3 : i32
    %scan3A_5 = arith.constant 1 : i32
    %scan3A_6 = scf.for %scan3A_51 = %scan3A_2 to %scan3A_4 step %scan3A_5 iter_args(%scan3A_52 = %scan3A) -> (i32)  : i32 {
      %jit3A = arith.constant 8 : i32
      %div3A = arith.divsi %scan3A_51, %jit3A : i32
      %sign3A = arith.constant 0 : i32
      %sign3A_53 = arith.cmpi sgt, %scan3A_51, %sign3A : i32
      %sign3A_54 = arith.extui %sign3A_53 : i1 to i32
      %sign3A_55 = arith.constant 0 : i32
      %sign3A_56 = arith.cmpi slt, %scan3A_51, %sign3A_55 : i32
      %sign3A_57 = arith.extui %sign3A_56 : i1 to i32
      %sign3A_58 = arith.subi %sign3A_54, %sign3A_57 : i32
      %sign3A_59 = arith.constant 0 : i32
      %sign3A_60 = arith.cmpi sgt, %jit3A, %sign3A_59 : i32
      %sign3A_61 = arith.extui %sign3A_60 : i1 to i32
      %sign3A_62 = arith.constant 0 : i32
      %sign3A_63 = arith.cmpi slt, %jit3A, %sign3A_62 : i32
      %sign3A_64 = arith.extui %sign3A_63 : i1 to i32
      %sign3A_65 = arith.subi %sign3A_61, %sign3A_64 : i32
      %ne3A = arith.cmpi ne, %sign3A_58, %sign3A_65 : i32
      %rem3A = arith.remsi %scan3A_51, %jit3A : i32
      %ne3A_66 = arith.constant 0 : i32
      %ne3A_67 = arith.cmpi ne, %rem3A, %ne3A_66 : i32
      %and3A = arith.andi %ne3A, %ne3A_67 : i1
      %sub3A_68 = arith.constant 1 : i32
      %sub3A_69 = arith.subi %div3A, %sub3A_68 : i32
      %select_n3A = arith.select %and3A, %sub3A_69, %div3A : i32
      %jit3A_70 = arith.constant 8 : i32
      %eq3A = arith.constant 0 : i32
      %eq3A_71 = arith.cmpi eq, %jit3A_70, %eq3A : i32
      %jit3A_72 = arith.constant 1 : i32
      %select_n3A_73 = arith.select %eq3A_71, %jit3A_72, %jit3A_70 : i32
      %rem3A_74 = arith.remsi %scan3A_51, %select_n3A_73 : i32
      %ne3A_75 = arith.constant 0 : i32
      %ne3A_76 = arith.cmpi ne, %rem3A_74, %ne3A_75 : i32
      %lt3A_77 = arith.constant 0 : i32
      %lt3A_78 = arith.cmpi slt, %rem3A_74, %lt3A_77 : i32
      %lt3A_79 = arith.constant 0 : i32
      %lt3A_80 = arith.cmpi slt, %select_n3A_73, %lt3A_79 : i32
      %ne3A_81 = arith.xori %lt3A_78, %lt3A_80 : i1
      %and3A_82 = arith.andi %ne3A_81, %ne3A_76 : i1
      %add3A_83 = arith.addi %rem3A_74, %select_n3A_73 : i32
      %select_n3A_84 = arith.select %and3A_82, %add3A_83, %rem3A_74 : i32
      %mul3A_85 = arith.constant 16 : i32
      %mul3A_86 = arith.muli %select_n3A_84, %mul3A_85 : i32
      %swap3A = arith.index_cast %select_n3A : i32 to index
      %swap3A_87 = arith.index_cast %mul3A_86 : i32 to index
      %swap3A_88 = tpu.vector_load %arg8[%swap3A, %swap3A_87] {strides = array<i32>} : memref<128x128xf32, #tpu.memory_space<vmem>>, vector<1x16xf32>,
      %swap3A_89 = vector.shape_cast %swap3A_88 : vector<1x16xf32> to vector<16xf32>
      %swap3A_90 = vector.shape_cast %broadcast_in_dim3A_1 : vector<16xf32> to vector<1x16xf32>
      tpu.vector_store %arg8[%swap3A, %swap3A_87], %swap3A_90 {strides = array<i32>} : memref<128x128xf32, #tpu.memory_space<vmem>>, vector<1x16xf32>,
      %scan3A_91 = arith.constant 0 : i32
      scf.yield %scan3A_91 : i32
    }
    %scan3A_7 = arith.constant 1024 : i32
    %mul3A_8 = arith.constant 632 : i32
    %mul3A_9 = arith.muli %arg1, %mul3A_8 : i32
    %add3A_10 = arith.constant 0 : i32
    %add3A_11 = arith.addi %mul3A_9, %add3A_10 : i32
    "tpu.region"() ({
      %run_scoped3A = tpu.sem_alloc : memref<!tpu.dma_semaphore, #tpu.memory_space<semaphore_mem>>
      %dma_start3A = arith.constant 0 : i32
      %dma_start3A_51 = tpu.memref_slice %arg12[%add3A_11, %dma_start3A] : memref<10112x128xf32, #tpu.memory_space<vmem_shared>> -> memref<128x128xf32, #tpu.memory_space<vmem_shared>>
      %dma_start3A_52 = arith.constant 0 : i32
      %dma_start3A_53 = tpu.memref_slice %arg12[%add3A_11, %dma_start3A_52] : memref<10112x128xf32, #tpu.memory_space<vmem_shared>> -> memref<128x128xf32, #tpu.memory_space<vmem_shared>>
      tpu.enqueue_dma source(%arg8 : memref<128x128xf32, #tpu.memory_space<vmem>>) target(%dma_start3A_53 : memref<128x128xf32, #tpu.memory_space<vmem_shared>>) target_semaphore(%run_scoped3A : memref<!tpu.dma_semaphore, #tpu.memory_space<semaphore_mem>>)
      %dma_wait3A_54 = arith.constant 0 : i32
      %dma_wait3A_55 = tpu.memref_slice %arg12[%add3A_11, %dma_wait3A_54] : memref<10112x128xf32, #tpu.memory_space<vmem_shared>> -> memref<128x128xf32, #tpu.memory_space<vmem_shared>>
      %dma_wait3A_56 = arith.constant 0 : i32
      %dma_wait3A_57 = tpu.memref_slice %arg12[%add3A_11, %dma_wait3A_56] : memref<10112x128xf32, #tpu.memory_space<vmem_shared>> -> memref<128x128xf32, #tpu.memory_space<vmem_shared>>
      tpu.wait_dma2 semaphore(%run_scoped3A : memref<!tpu.dma_semaphore, #tpu.memory_space<semaphore_mem>>) src(%arg8 : memref<128x128xf32, #tpu.memory_space<vmem>>) dst(%dma_wait3A_57 : memref<128x128xf32, #tpu.memory_space<vmem_shared>>)
      tpu.yield
    }) : () -> ()
    %add3A_12 = arith.constant 128 : i32
    %add3A_13 = arith.addi %mul3A_9, %add3A_12 : i32
    "tpu.region"() ({
      %run_scoped3A = tpu.sem_alloc : memref<!tpu.dma_semaphore, #tpu.memory_space<semaphore_mem>>
      %dma_start3A = arith.constant 0 : i32
      %dma_start3A_51 = tpu.memref_slice %arg12[%add3A_13, %dma_start3A] : memref<10112x128xf32, #tpu.memory_space<vmem_shared>> -> memref<128x128xf32, #tpu.memory_space<vmem_shared>>
      %dma_start3A_52 = arith.constant 0 : i32
      %dma_start3A_53 = tpu.memref_slice %arg12[%add3A_13, %dma_start3A_52] : memref<10112x128xf32, #tpu.memory_space<vmem_shared>> -> memref<128x128xf32, #tpu.memory_space<vmem_shared>>
      tpu.enqueue_dma source(%arg8 : memref<128x128xf32, #tpu.memory_space<vmem>>) target(%dma_start3A_53 : memref<128x128xf32, #tpu.memory_space<vmem_shared>>) target_semaphore(%run_scoped3A : memref<!tpu.dma_semaphore, #tpu.memory_space<semaphore_mem>>)
      %dma_wait3A_54 = arith.constant 0 : i32
      %dma_wait3A_55 = tpu.memref_slice %arg12[%add3A_13, %dma_wait3A_54] : memref<10112x128xf32, #tpu.memory_space<vmem_shared>> -> memref<128x128xf32, #tpu.memory_space<vmem_shared>>
      %dma_wait3A_56 = arith.constant 0 : i32
      %dma_wait3A_57 = tpu.memref_slice %arg12[%add3A_13, %dma_wait3A_56] : memref<10112x128xf32, #tpu.memory_space<vmem_shared>> -> memref<128x128xf32, #tpu.memory_space<vmem_shared>>
      tpu.wait_dma2 semaphore(%run_scoped3A : memref<!tpu.dma_semaphore, #tpu.memory_space<semaphore_mem>>) src(%arg8 : memref<128x128xf32, #tpu.memory_space<vmem>>) dst(%dma_wait3A_57 : memref<128x128xf32, #tpu.memory_space<vmem_shared>>)
      tpu.yield
    }) : () -> ()
    %add3A_14 = arith.constant 256 : i32
    %add3A_15 = arith.addi %mul3A_9, %add3A_14 : i32
    "tpu.region"() ({
      %run_scoped3A = tpu.sem_alloc : memref<!tpu.dma_semaphore, #tpu.memory_space<semaphore_mem>>
      %dma_start3A = arith.constant 0 : i32
      %dma_start3A_51 = tpu.memref_slice %arg12[%add3A_15, %dma_start3A] : memref<10112x128xf32, #tpu.memory_space<vmem_shared>> -> memref<128x128xf32, #tpu.memory_space<vmem_shared>>
      %dma_start3A_52 = arith.constant 0 : i32
      %dma_start3A_53 = tpu.memref_slice %arg12[%add3A_15, %dma_start3A_52] : memref<10112x128xf32, #tpu.memory_space<vmem_shared>> -> memref<128x128xf32, #tpu.memory_space<vmem_shared>>
      tpu.enqueue_dma source(%arg8 : memref<128x128xf32, #tpu.memory_space<vmem>>) target(%dma_start3A_53 : memref<128x128xf32, #tpu.memory_space<vmem_shared>>) target_semaphore(%run_scoped3A : memref<!tpu.dma_semaphore, #tpu.memory_space<semaphore_mem>>)
      %dma_wait3A_54 = arith.constant 0 : i32
      %dma_wait3A_55 = tpu.memref_slice %arg12[%add3A_15, %dma_wait3A_54] : memref<10112x128xf32, #tpu.memory_space<vmem_shared>> -> memref<128x128xf32, #tpu.memory_space<vmem_shared>>
      %dma_wait3A_56 = arith.constant 0 : i32
      %dma_wait3A_57 = tpu.memref_slice %arg12[%add3A_15, %dma_wait3A_56] : memref<10112x128xf32, #tpu.memory_space<vmem_shared>> -> memref<128x128xf32, #tpu.memory_space<vmem_shared>>
      tpu.wait_dma2 semaphore(%run_scoped3A : memref<!tpu.dma_semaphore, #tpu.memory_space<semaphore_mem>>) src(%arg8 : memref<128x128xf32, #tpu.memory_space<vmem>>) dst(%dma_wait3A_57 : memref<128x128xf32, #tpu.memory_space<vmem_shared>>)
      tpu.yield
    }) : () -> ()
    %add3A_16 = arith.constant 384 : i32
    %add3A_17 = arith.addi %mul3A_9, %add3A_16 : i32
    "tpu.region"() ({
      %run_scoped3A = tpu.sem_alloc : memref<!tpu.dma_semaphore, #tpu.memory_space<semaphore_mem>>
      %dma_start3A = arith.constant 0 : i32
      %dma_start3A_51 = tpu.memref_slice %arg12[%add3A_17, %dma_start3A] : memref<10112x128xf32, #tpu.memory_space<vmem_shared>> -> memref<128x128xf32, #tpu.memory_space<vmem_shared>>
      %dma_start3A_52 = arith.constant 0 : i32
      %dma_start3A_53 = tpu.memref_slice %arg12[%add3A_17, %dma_start3A_52] : memref<10112x128xf32, #tpu.memory_space<vmem_shared>> -> memref<128x128xf32, #tpu.memory_space<vmem_shared>>
      tpu.enqueue_dma source(%arg8 : memref<128x128xf32, #tpu.memory_space<vmem>>) target(%dma_start3A_53 : memref<128x128xf32, #tpu.memory_space<vmem_shared>>) target_semaphore(%run_scoped3A : memref<!tpu.dma_semaphore, #tpu.memory_space<semaphore_mem>>)
      %dma_wait3A_54 = arith.constant 0 : i32
      %dma_wait3A_55 = tpu.memref_slice %arg12[%add3A_17, %dma_wait3A_54] : memref<10112x128xf32, #tpu.memory_space<vmem_shared>> -> memref<128x128xf32, #tpu.memory_space<vmem_shared>>
      %dma_wait3A_56 = arith.constant 0 : i32
      %dma_wait3A_57 = tpu.memref_slice %arg12[%add3A_17, %dma_wait3A_56] : memref<10112x128xf32, #tpu.memory_space<vmem_shared>> -> memref<128x128xf32, #tpu.memory_space<vmem_shared>>
      tpu.wait_dma2 semaphore(%run_scoped3A : memref<!tpu.dma_semaphore, #tpu.memory_space<semaphore_mem>>) src(%arg8 : memref<128x128xf32, #tpu.memory_space<vmem>>) dst(%dma_wait3A_57 : memref<128x128xf32, #tpu.memory_space<vmem_shared>>)
      tpu.yield
    }) : () -> ()
    %add3A_18 = arith.constant 632 : i32
    %add3A_19 = arith.addi %mul3A_9, %add3A_18 : i32
    %sub3A = arith.constant 120 : i32
    %sub3A_20 = arith.subi %add3A_19, %sub3A : i32
    "tpu.region"() ({
      %run_scoped3A = tpu.sem_alloc : memref<!tpu.dma_semaphore, #tpu.memory_space<semaphore_mem>>
      %dma_start3A = arith.constant 0 : i32
      %dma_start3A_51 = arith.constant 0 : i32
      %dma_start3A_52 = tpu.memref_slice %arg8[%dma_start3A, %dma_start3A_51] : memref<128x128xf32, #tpu.memory_space<vmem>> -> memref<120x128xf32, #tpu.memory_space<vmem>>
      %dma_start3A_53 = arith.constant 0 : i32
      %dma_start3A_54 = tpu.memref_slice %arg12[%sub3A_20, %dma_start3A_53] : memref<10112x128xf32, #tpu.memory_space<vmem_shared>> -> memref<120x128xf32, #tpu.memory_space<vmem_shared>>
      %dma_start3A_55 = arith.constant 0 : i32
      %dma_start3A_56 = tpu.memref_slice %arg12[%sub3A_20, %dma_start3A_55] : memref<10112x128xf32, #tpu.memory_space<vmem_shared>> -> memref<120x128xf32, #tpu.memory_space<vmem_shared>>
      %dma_start3A_57 = arith.constant 0 : i32
      %dma_start3A_58 = arith.constant 0 : i32
      %dma_start3A_59 = tpu.memref_slice %arg8[%dma_start3A_57, %dma_start3A_58] : memref<128x128xf32, #tpu.memory_space<vmem>> -> memref<120x128xf32, #tpu.memory_space<vmem>>
      tpu.enqueue_dma source(%dma_start3A_59 : memref<120x128xf32, #tpu.memory_space<vmem>>) target(%dma_start3A_56 : memref<120x128xf32, #tpu.memory_space<vmem_shared>>) target_semaphore(%run_scoped3A : memref<!tpu.dma_semaphore, #tpu.memory_space<semaphore_mem>>)
      %dma_wait3A_60 = arith.constant 0 : i32
      %dma_wait3A_61 = arith.constant 0 : i32
      %dma_wait3A_62 = tpu.memref_slice %arg8[%dma_wait3A_60, %dma_wait3A_61] : memref<128x128xf32, #tpu.memory_space<vmem>> -> memref<120x128xf32, #tpu.memory_space<vmem>>
      %dma_wait3A_63 = arith.constant 0 : i32
      %dma_wait3A_64 = tpu.memref_slice %arg12[%sub3A_20, %dma_wait3A_63] : memref<10112x128xf32, #tpu.memory_space<vmem_shared>> -> memref<120x128xf32, #tpu.memory_space<vmem_shared>>
      %dma_wait3A_65 = arith.constant 0 : i32
      %dma_wait3A_66 = tpu.memref_slice %arg12[%sub3A_20, %dma_wait3A_65] : memref<10112x128xf32, #tpu.memory_space<vmem_shared>> -> memref<120x128xf32, #tpu.memory_space<vmem_shared>>
      %dma_wait3A_67 = arith.constant 0 : i32
      %dma_wait3A_68 = arith.constant 0 : i32
      %dma_wait3A_69 = tpu.memref_slice %arg8[%dma_wait3A_67, %dma_wait3A_68] : memref<128x128xf32, #tpu.memory_space<vmem>> -> memref<120x128xf32, #tpu.memory_space<vmem>>
      tpu.wait_dma2 semaphore(%run_scoped3A : memref<!tpu.dma_semaphore, #tpu.memory_space<semaphore_mem>>) src(%dma_wait3A_69 : memref<120x128xf32, #tpu.memory_space<vmem>>) dst(%dma_wait3A_66 : memref<120x128xf32, #tpu.memory_space<vmem_shared>>)
      tpu.yield
    }) : () -> ()
    %barrier3A = arith.constant 0 : index
    tpu.barrier barrier_id(%barrier3A)
    %lt3A = arith.constant 2500 : i32
    %lt3A_21 = arith.cmpi slt, %add3A, %lt3A : i32
    %convert_element_type3A = arith.extui %lt3A_21 : i1 to i32
    %cond3A = arith.constant 0 : i32
    %cond3A_22 = arith.cmpi ne, %convert_element_type3A, %cond3A : i32
    scf.if %cond3A_22 {
      %mul3A_51 = arith.constant 64 : i32
      %mul3A_52 = arith.muli %add3A, %mul3A_51 : i32
      %dma_start3A = arith.constant 0 : i32
      %dma_start3A_53 = tpu.memref_slice %arg3[%mul3A_52, %dma_start3A] : memref<160000x128xi32, #tpu.memory_space<hbm>> -> memref<64x128xi32, #tpu.memory_space<hbm>>
      %dma_start3A_54 = arith.constant 0 : i32
      %dma_start3A_55 = tpu.memref_slice %arg3[%mul3A_52, %dma_start3A_54] : memref<160000x128xi32, #tpu.memory_space<hbm>> -> memref<64x128xi32, #tpu.memory_space<hbm>>
      tpu.enqueue_dma source(%dma_start3A_55 : memref<64x128xi32, #tpu.memory_space<hbm>>) target(%arg10 : memref<64x128xi32, #tpu.memory_space<vmem>>) target_semaphore(%arg17 : memref<!tpu.dma_semaphore, #tpu.memory_space<semaphore_mem>>)
    } else {
    }
    %add3A_23 = arith.constant 32 : i32
    %add3A_24 = arith.addi %add3A_23, %add3A : i32
    %lt3A_25 = arith.constant 2500 : i32
    %lt3A_26 = arith.cmpi slt, %add3A_24, %lt3A_25 : i32
    %convert_element_type3A_27 = arith.extui %lt3A_26 : i1 to i32
    %cond3A_28 = arith.constant 0 : i32
    %cond3A_29 = arith.cmpi ne, %convert_element_type3A_27, %cond3A_28 : i32
    scf.if %cond3A_29 {
      %add3A_51 = arith.constant 32 : i32
      %add3A_52 = arith.addi %add3A_51, %add3A : i32
      %mul3A_53 = arith.constant 64 : i32
      %mul3A_54 = arith.muli %add3A_52, %mul3A_53 : i32
      %dma_start3A = arith.constant 0 : i32
      %dma_start3A_55 = tpu.memref_slice %arg3[%mul3A_54, %dma_start3A] : memref<160000x128xi32, #tpu.memory_space<hbm>> -> memref<64x128xi32, #tpu.memory_space<hbm>>
      %dma_start3A_56 = arith.constant 0 : i32
      %dma_start3A_57 = tpu.memref_slice %arg3[%mul3A_54, %dma_start3A_56] : memref<160000x128xi32, #tpu.memory_space<hbm>> -> memref<64x128xi32, #tpu.memory_space<hbm>>
      tpu.enqueue_dma source(%dma_start3A_57 : memref<64x128xi32, #tpu.memory_space<hbm>>) target(%arg11 : memref<64x128xi32, #tpu.memory_space<vmem>>) target_semaphore(%arg18 : memref<!tpu.dma_semaphore, #tpu.memory_space<semaphore_mem>>)
    } else {
    }
    %scan3A_30 = arith.constant 0 : i32
    %scan3A_31 = arith.constant 0 : i32
    %scan3A_32 = arith.constant 40 : i32
    %scan3A_33 = arith.addi %scan3A_31, %scan3A_32 : i32
    %scan3A_34 = arith.constant 1 : i32
    %scan3A_35 = scf.for %scan3A_51 = %scan3A_31 to %scan3A_33 step %scan3A_34 iter_args(%scan3A_52 = %scan3A_30) -> (i32)  : i32 {
      %mul3A_53 = arith.constant 2 : i32
      %mul3A_54 = arith.muli %mul3A_53, %scan3A_51 : i32
      %eq3A = arith.constant 0 : i32
      %eq3A_55 = arith.cmpi eq, %scan3A_51, %eq3A : i32
      %mul3A_56 = arith.constant 32 : i32
      %mul3A_57 = arith.muli %mul3A_54, %mul3A_56 : i32
      %add3A_58 = arith.addi %mul3A_57, %add3A : i32
      %lt3A_59 = arith.constant 2500 : i32
      %lt3A_60 = arith.cmpi slt, %add3A_58, %lt3A_59 : i32
      %convert_element_type3A_61 = arith.extui %lt3A_60 : i1 to i32
      %cond3A_62 = arith.constant 0 : i32
      %cond3A_63 = arith.cmpi ne, %convert_element_type3A_61, %cond3A_62 : i32
      scf.if %cond3A_63 {
        %not3A = arith.constant true
        %not3A_101 = arith.xori %eq3A_55, %not3A : i1
        %convert_element_type3A_102 = arith.extui %not3A_101 : i1 to i32
        %cond3A_103 = arith.constant 0 : i32
        %cond3A_104 = arith.cmpi ne, %convert_element_type3A_102, %cond3A_103 : i32
        scf.if %cond3A_104 {
          %dma_wait3A_113 = arith.constant 1 : i32
          %dma_wait3A_114 = arith.constant 0 : i32
          %dma_wait3A_115 = tpu.memref_slice %arg6[%dma_wait3A_113, %dma_wait3A_114] : memref<2x128xi32, #tpu.memory_space<vmem>> -> memref<1x128xi32, #tpu.memory_space<vmem>>
          %dma_wait3A_116 = tpu.memref_squeeze %dma_wait3A_115 : memref<1x128xi32, #tpu.memory_space<vmem>> -> memref<128xi32, #tpu.memory_space<vmem>>
          %dma_wait3A_117 = arith.constant 0 : i32
          %dma_wait3A_118 = arith.constant 0 : i32
          %dma_wait3A_119 = tpu.memref_slice %arg12[%dma_wait3A_117, %dma_wait3A_118] : memref<10112x128xf32, #tpu.memory_space<vmem_shared>> -> memref<10112x128xf32, #tpu.memory_space<vmem_shared>>
          tpu.wait_indirect_dma semaphore(%arg15 : memref<!tpu.dma_semaphore, #tpu.memory_space<semaphore_mem>>) src(%arg8 : memref<128x128xf32, #tpu.memory_space<vmem>>) dst(%dma_wait3A_119 : memref<10112x128xf32, #tpu.memory_space<vmem_shared>>)
        } else {
        }
        %mul3A_105 = arith.constant 128 : i32
        %mul3A_106 = arith.muli %add3A_58, %mul3A_105 : i32
        "tpu.region"() ({
          %run_scoped3A = tpu.sem_alloc : memref<!tpu.dma_semaphore, #tpu.memory_space<semaphore_mem>>
          %dma_start3A_113 = arith.constant 0 : i32
          %dma_start3A_114 = tpu.memref_slice %arg4[%dma_start3A_113, %mul3A_106] : memref<2x320000xi32, #tpu.memory_space<hbm>> -> memref<2x128xi32, #tpu.memory_space<hbm>>
          %dma_start3A_115 = arith.constant 0 : i32
          %dma_start3A_116 = tpu.memref_slice %arg4[%dma_start3A_115, %mul3A_106] : memref<2x320000xi32, #tpu.memory_space<hbm>> -> memref<2x128xi32, #tpu.memory_space<hbm>>
          tpu.enqueue_dma source(%dma_start3A_116 : memref<2x128xi32, #tpu.memory_space<hbm>>) target(%arg6 : memref<2x128xi32, #tpu.memory_space<vmem>>) target_semaphore(%run_scoped3A : memref<!tpu.dma_semaphore, #tpu.memory_space<semaphore_mem>>)
          %dma_wait3A_117 = arith.constant 0 : i32
          %dma_wait3A_118 = tpu.memref_slice %arg4[%dma_wait3A_117, %mul3A_106] : memref<2x320000xi32, #tpu.memory_space<hbm>> -> memref<2x128xi32, #tpu.memory_space<hbm>>
          %dma_wait3A_119 = arith.constant 0 : i32
          %dma_wait3A_120 = tpu.memref_slice %arg4[%dma_wait3A_119, %mul3A_106] : memref<2x320000xi32, #tpu.memory_space<hbm>> -> memref<2x128xi32, #tpu.memory_space<hbm>>
          tpu.wait_dma2 semaphore(%run_scoped3A : memref<!tpu.dma_semaphore, #tpu.memory_space<semaphore_mem>>) src(%dma_wait3A_120 : memref<2x128xi32, #tpu.memory_space<hbm>>) dst(%arg6 : memref<2x128xi32, #tpu.memory_space<vmem>>)
          tpu.yield
        }) : () -> ()
        %dma_start3A = arith.constant 0 : i32
        %dma_start3A_107 = arith.constant 0 : i32
        %dma_start3A_108 = tpu.memref_slice %arg6[%dma_start3A, %dma_start3A_107] : memref<2x128xi32, #tpu.memory_space<vmem>> -> memref<1x128xi32, #tpu.memory_space<vmem>>
        %dma_start3A_109 = tpu.memref_squeeze %dma_start3A_108 : memref<1x128xi32, #tpu.memory_space<vmem>> -> memref<128xi32, #tpu.memory_space<vmem>>
        %dma_start3A_110 = arith.constant 0 : i32
        %dma_start3A_111 = arith.constant 0 : i32
        %dma_start3A_112 = tpu.memref_slice %arg2[%dma_start3A_110, %dma_start3A_111] : memref<10000x128xf32, #tpu.memory_space<hbm>> -> memref<10000x128xf32, #tpu.memory_space<hbm>>
        tpu.enqueue_indirect_dma source(%dma_start3A_112 : memref<10000x128xf32, #tpu.memory_space<hbm>>) target(%arg8 : memref<128x128xf32, #tpu.memory_space<vmem>>) offsets(%dma_start3A_109 : memref<128xi32, #tpu.memory_space<vmem>>) semaphore(%arg13 : memref<!tpu.dma_semaphore, #tpu.memory_space<semaphore_mem>>)
      } else {
      }
      %mul3A_64 = arith.constant 2 : i32
      %mul3A_65 = arith.muli %mul3A_64, %scan3A_51 : i32
      %add3A_66 = arith.constant 1 : i32
      %add3A_67 = arith.addi %mul3A_65, %add3A_66 : i32
      %eq3A_68 = arith.constant 0 : i32
      %eq3A_69 = arith.cmpi eq, %scan3A_51, %eq3A_68 : i32
      %mul3A_70 = arith.constant 32 : i32
      %mul3A_71 = arith.muli %add3A_67, %mul3A_70 : i32
      %add3A_72 = arith.addi %mul3A_71, %add3A : i32
      %lt3A_73 = arith.constant 2500 : i32
      %lt3A_74 = arith.cmpi slt, %add3A_72, %lt3A_73 : i32
      %convert_element_type3A_75 = arith.extui %lt3A_74 : i1 to i32
      %cond3A_76 = arith.constant 0 : i32
      %cond3A_77 = arith.cmpi ne, %convert_element_type3A_75, %cond3A_76 : i32
      scf.if %cond3A_77 {
        %not3A = arith.constant true
        %not3A_101 = arith.xori %eq3A_69, %not3A : i1
        %convert_element_type3A_102 = arith.extui %not3A_101 : i1 to i32
        %cond3A_103 = arith.constant 0 : i32
        %cond3A_104 = arith.cmpi ne, %convert_element_type3A_102, %cond3A_103 : i32
        scf.if %cond3A_104 {
          %dma_wait3A_113 = arith.constant 1 : i32
          %dma_wait3A_114 = arith.constant 0 : i32
          %dma_wait3A_115 = tpu.memref_slice %arg7[%dma_wait3A_113, %dma_wait3A_114] : memref<2x128xi32, #tpu.memory_space<vmem>> -> memref<1x128xi32, #tpu.memory_space<vmem>>
          %dma_wait3A_116 = tpu.memref_squeeze %dma_wait3A_115 : memref<1x128xi32, #tpu.memory_space<vmem>> -> memref<128xi32, #tpu.memory_space<vmem>>
          %dma_wait3A_117 = arith.constant 0 : i32
          %dma_wait3A_118 = arith.constant 0 : i32
          %dma_wait3A_119 = tpu.memref_slice %arg12[%dma_wait3A_117, %dma_wait3A_118] : memref<10112x128xf32, #tpu.memory_space<vmem_shared>> -> memref<10112x128xf32, #tpu.memory_space<vmem_shared>>
          tpu.wait_indirect_dma semaphore(%arg16 : memref<!tpu.dma_semaphore, #tpu.memory_space<semaphore_mem>>) src(%arg9 : memref<128x128xf32, #tpu.memory_space<vmem>>) dst(%dma_wait3A_119 : memref<10112x128xf32, #tpu.memory_space<vmem_shared>>)
        } else {
        }
        %mul3A_105 = arith.constant 128 : i32
        %mul3A_106 = arith.muli %add3A_72, %mul3A_105 : i32
        "tpu.region"() ({
          %run_scoped3A = tpu.sem_alloc : memref<!tpu.dma_semaphore, #tpu.memory_space<semaphore_mem>>
          %dma_start3A_113 = arith.constant 0 : i32
          %dma_start3A_114 = tpu.memref_slice %arg4[%dma_start3A_113, %mul3A_106] : memref<2x320000xi32, #tpu.memory_space<hbm>> -> memref<2x128xi32, #tpu.memory_space<hbm>>
          %dma_start3A_115 = arith.constant 0 : i32
          %dma_start3A_116 = tpu.memref_slice %arg4[%dma_start3A_115, %mul3A_106] : memref<2x320000xi32, #tpu.memory_space<hbm>> -> memref<2x128xi32, #tpu.memory_space<hbm>>
          tpu.enqueue_dma source(%dma_start3A_116 : memref<2x128xi32, #tpu.memory_space<hbm>>) target(%arg7 : memref<2x128xi32, #tpu.memory_space<vmem>>) target_semaphore(%run_scoped3A : memref<!tpu.dma_semaphore, #tpu.memory_space<semaphore_mem>>)
          %dma_wait3A_117 = arith.constant 0 : i32
          %dma_wait3A_118 = tpu.memref_slice %arg4[%dma_wait3A_117, %mul3A_106] : memref<2x320000xi32, #tpu.memory_space<hbm>> -> memref<2x128xi32, #tpu.memory_space<hbm>>
          %dma_wait3A_119 = arith.constant 0 : i32
          %dma_wait3A_120 = tpu.memref_slice %arg4[%dma_wait3A_119, %mul3A_106] : memref<2x320000xi32, #tpu.memory_space<hbm>> -> memref<2x128xi32, #tpu.memory_space<hbm>>
          tpu.wait_dma2 semaphore(%run_scoped3A : memref<!tpu.dma_semaphore, #tpu.memory_space<semaphore_mem>>) src(%dma_wait3A_120 : memref<2x128xi32, #tpu.memory_space<hbm>>) dst(%arg7 : memref<2x128xi32, #tpu.memory_space<vmem>>)
          tpu.yield
        }) : () -> ()
        %dma_start3A = arith.constant 0 : i32
        %dma_start3A_107 = arith.constant 0 : i32
        %dma_start3A_108 = tpu.memref_slice %arg7[%dma_start3A, %dma_start3A_107] : memref<2x128xi32, #tpu.memory_space<vmem>> -> memref<1x128xi32, #tpu.memory_space<vmem>>
        %dma_start3A_109 = tpu.memref_squeeze %dma_start3A_108 : memref<1x128xi32, #tpu.memory_space<vmem>> -> memref<128xi32, #tpu.memory_space<vmem>>
        %dma_start3A_110 = arith.constant 0 : i32
        %dma_start3A_111 = arith.constant 0 : i32
        %dma_start3A_112 = tpu.memref_slice %arg2[%dma_start3A_110, %dma_start3A_111] : memref<10000x128xf32, #tpu.memory_space<hbm>> -> memref<10000x128xf32, #tpu.memory_space<hbm>>
        tpu.enqueue_indirect_dma source(%dma_start3A_112 : memref<10000x128xf32, #tpu.memory_space<hbm>>) target(%arg9 : memref<128x128xf32, #tpu.memory_space<vmem>>) offsets(%dma_start3A_109 : memref<128xi32, #tpu.memory_space<vmem>>) semaphore(%arg14 : memref<!tpu.dma_semaphore, #tpu.memory_space<semaphore_mem>>)
      } else {
      }
      %mul3A_78 = arith.constant 2 : i32
      %mul3A_79 = arith.muli %mul3A_78, %scan3A_51 : i32
      %mul3A_80 = arith.constant 32 : i32
      %mul3A_81 = arith.muli %mul3A_79, %mul3A_80 : i32
      %add3A_82 = arith.addi %mul3A_81, %add3A : i32
      %lt3A_83 = arith.constant 2500 : i32
      %lt3A_84 = arith.cmpi slt, %add3A_82, %lt3A_83 : i32
      %convert_element_type3A_85 = arith.extui %lt3A_84 : i1 to i32
      %cond3A_86 = arith.constant 0 : i32
      %cond3A_87 = arith.cmpi ne, %convert_element_type3A_85, %cond3A_86 : i32
      scf.if %cond3A_87 {
        %dma_wait3A_101 = arith.constant 0 : i32
        %dma_wait3A_102 = arith.constant 0 : i32
        %dma_wait3A_103 = tpu.memref_slice %arg6[%dma_wait3A_101, %dma_wait3A_102] : memref<2x128xi32, #tpu.memory_space<vmem>> -> memref<1x128xi32, #tpu.memory_space<vmem>>
        %dma_wait3A_104 = tpu.memref_squeeze %dma_wait3A_103 : memref<1x128xi32, #tpu.memory_space<vmem>> -> memref<128xi32, #tpu.memory_space<vmem>>
        %dma_wait3A_105 = arith.constant 0 : i32
        %dma_wait3A_106 = arith.constant 0 : i32
        %dma_wait3A_107 = tpu.memref_slice %arg2[%dma_wait3A_105, %dma_wait3A_106] : memref<10000x128xf32, #tpu.memory_space<hbm>> -> memref<10000x128xf32, #tpu.memory_space<hbm>>
        tpu.wait_indirect_dma semaphore(%arg13 : memref<!tpu.dma_semaphore, #tpu.memory_space<semaphore_mem>>) src(%dma_wait3A_107 : memref<10000x128xf32, #tpu.memory_space<hbm>>) dst(%arg8 : memref<128x128xf32, #tpu.memory_space<vmem>>)
        %dma_wait3A_108 = arith.constant 0 : i32
        %dma_wait3A_109 = arith.constant 0 : i32
        %dma_wait3A_110 = tpu.memref_slice %arg3[%dma_wait3A_108, %dma_wait3A_109] : memref<160000x128xi32, #tpu.memory_space<hbm>> -> memref<64x128xi32, #tpu.memory_space<hbm>>
        %dma_wait3A_111 = arith.constant 0 : i32
        %dma_wait3A_112 = arith.constant 0 : i32
        %dma_wait3A_113 = tpu.memref_slice %arg3[%dma_wait3A_111, %dma_wait3A_112] : memref<160000x128xi32, #tpu.memory_space<hbm>> -> memref<64x128xi32, #tpu.memory_space<hbm>>
        tpu.wait_dma2 semaphore(%arg17 : memref<!tpu.dma_semaphore, #tpu.memory_space<semaphore_mem>>) src(%dma_wait3A_113 : memref<64x128xi32, #tpu.memory_space<hbm>>) dst(%arg10 : memref<64x128xi32, #tpu.memory_space<vmem>>)
        %parallel_loop3A = arith.constant 0 : i32
        %parallel_loop3A_114 = arith.constant 64 : i32
        %parallel_loop3A_115 = arith.constant 1 : i32
        scf.for %parallel_loop3A_129 = %parallel_loop3A to %parallel_loop3A_114 step %parallel_loop3A_115  : i32 {
          %parallel_loop3A_130 = arith.constant 2 : i32
          %parallel_loop3A_131 = arith.muli %parallel_loop3A_130, %parallel_loop3A_129 : i32
          %parallel_loop3A_132 = arith.constant 0 : i32
          %parallel_loop3A_133 = arith.addi %parallel_loop3A_131, %parallel_loop3A_132 : i32
          %parallel_loop3A_134 = arith.index_cast %parallel_loop3A_129 : i32 to index
          %parallel_loop3A_135 = arith.constant 0 : index
          %parallel_loop3A_136 = tpu.vector_load %arg10[%parallel_loop3A_134, %parallel_loop3A_135] {strides = array<i32>} : memref<64x128xi32, #tpu.memory_space<vmem>>, vector<1x16xi32>,
          %parallel_loop3A_137 = vector.shape_cast %parallel_loop3A_136 : vector<1x16xi32> to vector<16xi32>
          %parallel_loop3A_138 = arith.constant 16 : i32
          %parallel_loop3A_139 = vector.broadcast %parallel_loop3A_138 : i32 to vector<16xi32>
          %parallel_loop3A_140 = arith.shli %parallel_loop3A_137, %parallel_loop3A_139 : vector<16xi32>
          %parallel_loop3A_141 = tpu.bitcast %parallel_loop3A_140 : vector<16xi32> -> vector<16xf32>
          %parallel_loop3A_142 = arith.constant -65536 : i32
          %parallel_loop3A_143 = vector.broadcast %parallel_loop3A_142 : i32 to vector<16xi32>
          %parallel_loop3A_144 = arith.andi %parallel_loop3A_137, %parallel_loop3A_143 : vector<16xi32>
          %parallel_loop3A_145 = tpu.bitcast %parallel_loop3A_144 : vector<16xi32> -> vector<16xf32>
          %parallel_loop3A_146 = arith.index_cast %parallel_loop3A_133 : i32 to index
          %parallel_loop3A_147 = arith.constant 0 : index
          %parallel_loop3A_148 = tpu.vector_load %arg8[%parallel_loop3A_146, %parallel_loop3A_147] {strides = array<i32>} : memref<128x128xf32, #tpu.memory_space<vmem>>, vector<1x16xf32>,
          %parallel_loop3A_149 = vector.shape_cast %parallel_loop3A_148 : vector<1x16xf32> to vector<16xf32>
          %parallel_loop3A_150 = arith.addf %parallel_loop3A_149, %parallel_loop3A_141 : vector<16xf32>
          %parallel_loop3A_151 = arith.index_cast %parallel_loop3A_133 : i32 to index
          %parallel_loop3A_152 = arith.constant 16 : index
          %parallel_loop3A_153 = tpu.vector_load %arg8[%parallel_loop3A_151, %parallel_loop3A_152] {strides = array<i32>} : memref<128x128xf32, #tpu.memory_space<vmem>>, vector<1x16xf32>,
          %parallel_loop3A_154 = vector.shape_cast %parallel_loop3A_153 : vector<1x16xf32> to vector<16xf32>
          %parallel_loop3A_155 = arith.addf %parallel_loop3A_154, %parallel_loop3A_145 : vector<16xf32>
          %parallel_loop3A_156 = arith.constant 0.000000e+00 : f32
          %parallel_loop3A_157 = vector.broadcast %parallel_loop3A_156 : f32 to vector<16xf32>
          %parallel_loop3A_158 = arith.maximumf %parallel_loop3A_150, %parallel_loop3A_157 : vector<16xf32>
          %parallel_loop3A_159 = arith.constant 0.000000e+00 : f32
          %parallel_loop3A_160 = vector.broadcast %parallel_loop3A_159 : f32 to vector<16xf32>
          %parallel_loop3A_161 = arith.maximumf %parallel_loop3A_155, %parallel_loop3A_160 : vector<16xf32>
          %parallel_loop3A_162 = arith.index_cast %parallel_loop3A_129 : i32 to index
          %parallel_loop3A_163 = arith.constant 16 : index
          %parallel_loop3A_164 = tpu.vector_load %arg10[%parallel_loop3A_162, %parallel_loop3A_163] {strides = array<i32>} : memref<64x128xi32, #tpu.memory_space<vmem>>, vector<1x16xi32>,
          %parallel_loop3A_165 = vector.shape_cast %parallel_loop3A_164 : vector<1x16xi32> to vector<16xi32>
          %parallel_loop3A_166 = arith.constant 16 : i32
          %parallel_loop3A_167 = vector.broadcast %parallel_loop3A_166 : i32 to vector<16xi32>
          %parallel_loop3A_168 = arith.shli %parallel_loop3A_165, %parallel_loop3A_167 : vector<16xi32>
          %parallel_loop3A_169 = tpu.bitcast %parallel_loop3A_168 : vector<16xi32> -> vector<16xf32>
          %parallel_loop3A_170 = arith.constant -65536 : i32
          %parallel_loop3A_171 = vector.broadcast %parallel_loop3A_170 : i32 to vector<16xi32>
          %parallel_loop3A_172 = arith.andi %parallel_loop3A_165, %parallel_loop3A_171 : vector<16xi32>
          %parallel_loop3A_173 = tpu.bitcast %parallel_loop3A_172 : vector<16xi32> -> vector<16xf32>
          %parallel_loop3A_174 = arith.index_cast %parallel_loop3A_133 : i32 to index
          %parallel_loop3A_175 = arith.constant 32 : index
          %parallel_loop3A_176 = tpu.vector_load %arg8[%parallel_loop3A_174, %parallel_loop3A_175] {strides = array<i32>} : memref<128x128xf32, #tpu.memory_space<vmem>>, vector<1x16xf32>,
          %parallel_loop3A_177 = vector.shape_cast %parallel_loop3A_176 : vector<1x16xf32> to vector<16xf32>
          %parallel_loop3A_178 = arith.addf %parallel_loop3A_177, %parallel_loop3A_169 : vector<16xf32>
          %parallel_loop3A_179 = arith.index_cast %parallel_loop3A_133 : i32 to index
          %parallel_loop3A_180 = arith.constant 48 : index
          %parallel_loop3A_181 = tpu.vector_load %arg8[%parallel_loop3A_179, %parallel_loop3A_180] {strides = array<i32>} : memref<128x128xf32, #tpu.memory_space<vmem>>, vector<1x16xf32>,
          %parallel_loop3A_182 = vector.shape_cast %parallel_loop3A_181 : vector<1x16xf32> to vector<16xf32>
          %parallel_loop3A_183 = arith.addf %parallel_loop3A_182, %parallel_loop3A_173 : vector<16xf32>
          %parallel_loop3A_184 = arith.constant 0.000000e+00 : f32
          %parallel_loop3A_185 = vector.broadcast %parallel_loop3A_184 : f32 to vector<16xf32>
          %parallel_loop3A_186 = arith.maximumf %parallel_loop3A_178, %parallel_loop3A_185 : vector<16xf32>
          %parallel_loop3A_187 = arith.constant 0.000000e+00 : f32
          %parallel_loop3A_188 = vector.broadcast %parallel_loop3A_187 : f32 to vector<16xf32>
          %parallel_loop3A_189 = arith.maximumf %parallel_loop3A_183, %parallel_loop3A_188 : vector<16xf32>
          %parallel_loop3A_190 = arith.index_cast %parallel_loop3A_129 : i32 to index
          %parallel_loop3A_191 = arith.constant 32 : index
          %parallel_loop3A_192 = tpu.vector_load %arg10[%parallel_loop3A_190, %parallel_loop3A_191] {strides = array<i32>} : memref<64x128xi32, #tpu.memory_space<vmem>>, vector<1x16xi32>,
          %parallel_loop3A_193 = vector.shape_cast %parallel_loop3A_192 : vector<1x16xi32> to vector<16xi32>
          %parallel_loop3A_194 = arith.constant 16 : i32
          %parallel_loop3A_195 = vector.broadcast %parallel_loop3A_194 : i32 to vector<16xi32>
          %parallel_loop3A_196 = arith.shli %parallel_loop3A_193, %parallel_loop3A_195 : vector<16xi32>
          %parallel_loop3A_197 = tpu.bitcast %parallel_loop3A_196 : vector<16xi32> -> vector<16xf32>
          %parallel_loop3A_198 = arith.constant -65536 : i32
          %parallel_loop3A_199 = vector.broadcast %parallel_loop3A_198 : i32 to vector<16xi32>
          %parallel_loop3A_200 = arith.andi %parallel_loop3A_193, %parallel_loop3A_199 : vector<16xi32>
          %parallel_loop3A_201 = tpu.bitcast %parallel_loop3A_200 : vector<16xi32> -> vector<16xf32>
          %parallel_loop3A_202 = arith.index_cast %parallel_loop3A_133 : i32 to index
          %parallel_loop3A_203 = arith.constant 64 : index
          %parallel_loop3A_204 = tpu.vector_load %arg8[%parallel_loop3A_202, %parallel_loop3A_203] {strides = array<i32>} : memref<128x128xf32, #tpu.memory_space<vmem>>, vector<1x16xf32>,
          %parallel_loop3A_205 = vector.shape_cast %parallel_loop3A_204 : vector<1x16xf32> to vector<16xf32>
          %parallel_loop3A_206 = arith.addf %parallel_loop3A_205, %parallel_loop3A_197 : vector<16xf32>
          %parallel_loop3A_207 = arith.index_cast %parallel_loop3A_133 : i32 to index
          %parallel_loop3A_208 = arith.constant 80 : index
          %parallel_loop3A_209 = tpu.vector_load %arg8[%parallel_loop3A_207, %parallel_loop3A_208] {strides = array<i32>} : memref<128x128xf32, #tpu.memory_space<vmem>>, vector<1x16xf32>,
          %parallel_loop3A_210 = vector.shape_cast %parallel_loop3A_209 : vector<1x16xf32> to vector<16xf32>
          %parallel_loop3A_211 = arith.addf %parallel_loop3A_210, %parallel_loop3A_201 : vector<16xf32>
          %parallel_loop3A_212 = arith.constant 0.000000e+00 : f32
          %parallel_loop3A_213 = vector.broadcast %parallel_loop3A_212 : f32 to vector<16xf32>
          %parallel_loop3A_214 = arith.maximumf %parallel_loop3A_206, %parallel_loop3A_213 : vector<16xf32>
          %parallel_loop3A_215 = arith.constant 0.000000e+00 : f32
          %parallel_loop3A_216 = vector.broadcast %parallel_loop3A_215 : f32 to vector<16xf32>
          %parallel_loop3A_217 = arith.maximumf %parallel_loop3A_211, %parallel_loop3A_216 : vector<16xf32>
          %parallel_loop3A_218 = arith.index_cast %parallel_loop3A_129 : i32 to index
          %parallel_loop3A_219 = arith.constant 48 : index
          %parallel_loop3A_220 = tpu.vector_load %arg10[%parallel_loop3A_218, %parallel_loop3A_219] {strides = array<i32>} : memref<64x128xi32, #tpu.memory_space<vmem>>, vector<1x16xi32>,
          %parallel_loop3A_221 = vector.shape_cast %parallel_loop3A_220 : vector<1x16xi32> to vector<16xi32>
          %parallel_loop3A_222 = arith.constant 16 : i32
          %parallel_loop3A_223 = vector.broadcast %parallel_loop3A_222 : i32 to vector<16xi32>
          %parallel_loop3A_224 = arith.shli %parallel_loop3A_221, %parallel_loop3A_223 : vector<16xi32>
          %parallel_loop3A_225 = tpu.bitcast %parallel_loop3A_224 : vector<16xi32> -> vector<16xf32>
          %parallel_loop3A_226 = arith.constant -65536 : i32
          %parallel_loop3A_227 = vector.broadcast %parallel_loop3A_226 : i32 to vector<16xi32>
          %parallel_loop3A_228 = arith.andi %parallel_loop3A_221, %parallel_loop3A_227 : vector<16xi32>
          %parallel_loop3A_229 = tpu.bitcast %parallel_loop3A_228 : vector<16xi32> -> vector<16xf32>
          %parallel_loop3A_230 = arith.index_cast %parallel_loop3A_133 : i32 to index
          %parallel_loop3A_231 = arith.constant 96 : index
          %parallel_loop3A_232 = tpu.vector_load %arg8[%parallel_loop3A_230, %parallel_loop3A_231] {strides = array<i32>} : memref<128x128xf32, #tpu.memory_space<vmem>>, vector<1x16xf32>,
          %parallel_loop3A_233 = vector.shape_cast %parallel_loop3A_232 : vector<1x16xf32> to vector<16xf32>
          %parallel_loop3A_234 = arith.addf %parallel_loop3A_233, %parallel_loop3A_225 : vector<16xf32>
          %parallel_loop3A_235 = arith.index_cast %parallel_loop3A_133 : i32 to index
          %parallel_loop3A_236 = arith.constant 112 : index
          %parallel_loop3A_237 = tpu.vector_load %arg8[%parallel_loop3A_235, %parallel_loop3A_236] {strides = array<i32>} : memref<128x128xf32, #tpu.memory_space<vmem>>, vector<1x16xf32>,
          %parallel_loop3A_238 = vector.shape_cast %parallel_loop3A_237 : vector<1x16xf32> to vector<16xf32>
          %parallel_loop3A_239 = arith.addf %parallel_loop3A_238, %parallel_loop3A_229 : vector<16xf32>
          %parallel_loop3A_240 = arith.constant 0.000000e+00 : f32
          %parallel_loop3A_241 = vector.broadcast %parallel_loop3A_240 : f32 to vector<16xf32>
          %parallel_loop3A_242 = arith.maximumf %parallel_loop3A_234, %parallel_loop3A_241 : vector<16xf32>
          %parallel_loop3A_243 = arith.constant 0.000000e+00 : f32
          %parallel_loop3A_244 = vector.broadcast %parallel_loop3A_243 : f32 to vector<16xf32>
          %parallel_loop3A_245 = arith.maximumf %parallel_loop3A_239, %parallel_loop3A_244 : vector<16xf32>
          %parallel_loop3A_246 = arith.constant 2 : i32
          %parallel_loop3A_247 = arith.muli %parallel_loop3A_246, %parallel_loop3A_129 : i32
          %parallel_loop3A_248 = arith.constant 1 : i32
          %parallel_loop3A_249 = arith.addi %parallel_loop3A_247, %parallel_loop3A_248 : i32
          %parallel_loop3A_250 = arith.index_cast %parallel_loop3A_129 : i32 to index
          %parallel_loop3A_251 = arith.constant 64 : index
          %parallel_loop3A_252 = tpu.vector_load %arg10[%parallel_loop3A_250, %parallel_loop3A_251] {strides = array<i32>} : memref<64x128xi32, #tpu.memory_space<vmem>>, vector<1x16xi32>,
          %parallel_loop3A_253 = vector.shape_cast %parallel_loop3A_252 : vector<1x16xi32> to vector<16xi32>
          %parallel_loop3A_254 = arith.constant 16 : i32
          %parallel_loop3A_255 = vector.broadcast %parallel_loop3A_254 : i32 to vector<16xi32>
          %parallel_loop3A_256 = arith.shli %parallel_loop3A_253, %parallel_loop3A_255 : vector<16xi32>
          %parallel_loop3A_257 = tpu.bitcast %parallel_loop3A_256 : vector<16xi32> -> vector<16xf32>
          %parallel_loop3A_258 = arith.constant -65536 : i32
          %parallel_loop3A_259 = vector.broadcast %parallel_loop3A_258 : i32 to vector<16xi32>
          %parallel_loop3A_260 = arith.andi %parallel_loop3A_253, %parallel_loop3A_259 : vector<16xi32>
          %parallel_loop3A_261 = tpu.bitcast %parallel_loop3A_260 : vector<16xi32> -> vector<16xf32>
          %parallel_loop3A_262 = arith.index_cast %parallel_loop3A_249 : i32 to index
          %parallel_loop3A_263 = arith.constant 0 : index
          %parallel_loop3A_264 = tpu.vector_load %arg8[%parallel_loop3A_262, %parallel_loop3A_263] {strides = array<i32>} : memref<128x128xf32, #tpu.memory_space<vmem>>, vector<1x16xf32>,
          %parallel_loop3A_265 = vector.shape_cast %parallel_loop3A_264 : vector<1x16xf32> to vector<16xf32>
          %parallel_loop3A_266 = arith.addf %parallel_loop3A_265, %parallel_loop3A_257 : vector<16xf32>
          %parallel_loop3A_267 = arith.index_cast %parallel_loop3A_249 : i32 to index
          %parallel_loop3A_268 = arith.constant 16 : index
          %parallel_loop3A_269 = tpu.vector_load %arg8[%parallel_loop3A_267, %parallel_loop3A_268] {strides = array<i32>} : memref<128x128xf32, #tpu.memory_space<vmem>>, vector<1x16xf32>,
          %parallel_loop3A_270 = vector.shape_cast %parallel_loop3A_269 : vector<1x16xf32> to vector<16xf32>
          %parallel_loop3A_271 = arith.addf %parallel_loop3A_270, %parallel_loop3A_261 : vector<16xf32>
          %parallel_loop3A_272 = arith.constant 0.000000e+00 : f32
          %parallel_loop3A_273 = vector.broadcast %parallel_loop3A_272 : f32 to vector<16xf32>
          %parallel_loop3A_274 = arith.maximumf %parallel_loop3A_266, %parallel_loop3A_273 : vector<16xf32>
          %parallel_loop3A_275 = arith.constant 0.000000e+00 : f32
          %parallel_loop3A_276 = vector.broadcast %parallel_loop3A_275 : f32 to vector<16xf32>
          %parallel_loop3A_277 = arith.maximumf %parallel_loop3A_271, %parallel_loop3A_276 : vector<16xf32>
          %parallel_loop3A_278 = arith.index_cast %parallel_loop3A_129 : i32 to index
          %parallel_loop3A_279 = arith.constant 80 : index
          %parallel_loop3A_280 = tpu.vector_load %arg10[%parallel_loop3A_278, %parallel_loop3A_279] {strides = array<i32>} : memref<64x128xi32, #tpu.memory_space<vmem>>, vector<1x16xi32>,
          %parallel_loop3A_281 = vector.shape_cast %parallel_loop3A_280 : vector<1x16xi32> to vector<16xi32>
          %parallel_loop3A_282 = arith.constant 16 : i32
          %parallel_loop3A_283 = vector.broadcast %parallel_loop3A_282 : i32 to vector<16xi32>
          %parallel_loop3A_284 = arith.shli %parallel_loop3A_281, %parallel_loop3A_283 : vector<16xi32>
          %parallel_loop3A_285 = tpu.bitcast %parallel_loop3A_284 : vector<16xi32> -> vector<16xf32>
          %parallel_loop3A_286 = arith.constant -65536 : i32
          %parallel_loop3A_287 = vector.broadcast %parallel_loop3A_286 : i32 to vector<16xi32>
          %parallel_loop3A_288 = arith.andi %parallel_loop3A_281, %parallel_loop3A_287 : vector<16xi32>
          %parallel_loop3A_289 = tpu.bitcast %parallel_loop3A_288 : vector<16xi32> -> vector<16xf32>
          %parallel_loop3A_290 = arith.index_cast %parallel_loop3A_249 : i32 to index
          %parallel_loop3A_291 = arith.constant 32 : index
          %parallel_loop3A_292 = tpu.vector_load %arg8[%parallel_loop3A_290, %parallel_loop3A_291] {strides = array<i32>} : memref<128x128xf32, #tpu.memory_space<vmem>>, vector<1x16xf32>,
          %parallel_loop3A_293 = vector.shape_cast %parallel_loop3A_292 : vector<1x16xf32> to vector<16xf32>
          %parallel_loop3A_294 = arith.addf %parallel_loop3A_293, %parallel_loop3A_285 : vector<16xf32>
          %parallel_loop3A_295 = arith.index_cast %parallel_loop3A_249 : i32 to index
          %parallel_loop3A_296 = arith.constant 48 : index
          %parallel_loop3A_297 = tpu.vector_load %arg8[%parallel_loop3A_295, %parallel_loop3A_296] {strides = array<i32>} : memref<128x128xf32, #tpu.memory_space<vmem>>, vector<1x16xf32>,
          %parallel_loop3A_298 = vector.shape_cast %parallel_loop3A_297 : vector<1x16xf32> to vector<16xf32>
          %parallel_loop3A_299 = arith.addf %parallel_loop3A_298, %parallel_loop3A_289 : vector<16xf32>
          %parallel_loop3A_300 = arith.constant 0.000000e+00 : f32
          %parallel_loop3A_301 = vector.broadcast %parallel_loop3A_300 : f32 to vector<16xf32>
          %parallel_loop3A_302 = arith.maximumf %parallel_loop3A_294, %parallel_loop3A_301 : vector<16xf32>
          %parallel_loop3A_303 = arith.constant 0.000000e+00 : f32
          %parallel_loop3A_304 = vector.broadcast %parallel_loop3A_303 : f32 to vector<16xf32>
          %parallel_loop3A_305 = arith.maximumf %parallel_loop3A_299, %parallel_loop3A_304 : vector<16xf32>
          %parallel_loop3A_306 = arith.index_cast %parallel_loop3A_129 : i32 to index
          %parallel_loop3A_307 = arith.constant 96 : index
          %parallel_loop3A_308 = tpu.vector_load %arg10[%parallel_loop3A_306, %parallel_loop3A_307] {strides = array<i32>} : memref<64x128xi32, #tpu.memory_space<vmem>>, vector<1x16xi32>,
          %parallel_loop3A_309 = vector.shape_cast %parallel_loop3A_308 : vector<1x16xi32> to vector<16xi32>
          %parallel_loop3A_310 = arith.constant 16 : i32
          %parallel_loop3A_311 = vector.broadcast %parallel_loop3A_310 : i32 to vector<16xi32>
          %parallel_loop3A_312 = arith.shli %parallel_loop3A_309, %parallel_loop3A_311 : vector<16xi32>
          %parallel_loop3A_313 = tpu.bitcast %parallel_loop3A_312 : vector<16xi32> -> vector<16xf32>
          %parallel_loop3A_314 = arith.constant -65536 : i32
          %parallel_loop3A_315 = vector.broadcast %parallel_loop3A_314 : i32 to vector<16xi32>
          %parallel_loop3A_316 = arith.andi %parallel_loop3A_309, %parallel_loop3A_315 : vector<16xi32>
          %parallel_loop3A_317 = tpu.bitcast %parallel_loop3A_316 : vector<16xi32> -> vector<16xf32>
          %parallel_loop3A_318 = arith.index_cast %parallel_loop3A_249 : i32 to index
          %parallel_loop3A_319 = arith.constant 64 : index
          %parallel_loop3A_320 = tpu.vector_load %arg8[%parallel_loop3A_318, %parallel_loop3A_319] {strides = array<i32>} : memref<128x128xf32, #tpu.memory_space<vmem>>, vector<1x16xf32>,
          %parallel_loop3A_321 = vector.shape_cast %parallel_loop3A_320 : vector<1x16xf32> to vector<16xf32>
          %parallel_loop3A_322 = arith.addf %parallel_loop3A_321, %parallel_loop3A_313 : vector<16xf32>
          %parallel_loop3A_323 = arith.index_cast %parallel_loop3A_249 : i32 to index
          %parallel_loop3A_324 = arith.constant 80 : index
          %parallel_loop3A_325 = tpu.vector_load %arg8[%parallel_loop3A_323, %parallel_loop3A_324] {strides = array<i32>} : memref<128x128xf32, #tpu.memory_space<vmem>>, vector<1x16xf32>,
          %parallel_loop3A_326 = vector.shape_cast %parallel_loop3A_325 : vector<1x16xf32> to vector<16xf32>
          %parallel_loop3A_327 = arith.addf %parallel_loop3A_326, %parallel_loop3A_317 : vector<16xf32>
          %parallel_loop3A_328 = arith.constant 0.000000e+00 : f32
          %parallel_loop3A_329 = vector.broadcast %parallel_loop3A_328 : f32 to vector<16xf32>
          %parallel_loop3A_330 = arith.maximumf %parallel_loop3A_322, %parallel_loop3A_329 : vector<16xf32>
          %parallel_loop3A_331 = arith.constant 0.000000e+00 : f32
          %parallel_loop3A_332 = vector.broadcast %parallel_loop3A_331 : f32 to vector<16xf32>
          %parallel_loop3A_333 = arith.maximumf %parallel_loop3A_327, %parallel_loop3A_332 : vector<16xf32>
          %parallel_loop3A_334 = arith.index_cast %parallel_loop3A_129 : i32 to index
          %parallel_loop3A_335 = arith.constant 112 : index
          %parallel_loop3A_336 = tpu.vector_load %arg10[%parallel_loop3A_334, %parallel_loop3A_335] {strides = array<i32>} : memref<64x128xi32, #tpu.memory_space<vmem>>, vector<1x16xi32>,
          %parallel_loop3A_337 = vector.shape_cast %parallel_loop3A_336 : vector<1x16xi32> to vector<16xi32>
          %parallel_loop3A_338 = arith.constant 16 : i32
          %parallel_loop3A_339 = vector.broadcast %parallel_loop3A_338 : i32 to vector<16xi32>
          %parallel_loop3A_340 = arith.shli %parallel_loop3A_337, %parallel_loop3A_339 : vector<16xi32>
          %parallel_loop3A_341 = tpu.bitcast %parallel_loop3A_340 : vector<16xi32> -> vector<16xf32>
          %parallel_loop3A_342 = arith.constant -65536 : i32
          %parallel_loop3A_343 = vector.broadcast %parallel_loop3A_342 : i32 to vector<16xi32>
          %parallel_loop3A_344 = arith.andi %parallel_loop3A_337, %parallel_loop3A_343 : vector<16xi32>
          %parallel_loop3A_345 = tpu.bitcast %parallel_loop3A_344 : vector<16xi32> -> vector<16xf32>
          %parallel_loop3A_346 = arith.index_cast %parallel_loop3A_249 : i32 to index
          %parallel_loop3A_347 = arith.constant 96 : index
          %parallel_loop3A_348 = tpu.vector_load %arg8[%parallel_loop3A_346, %parallel_loop3A_347] {strides = array<i32>} : memref<128x128xf32, #tpu.memory_space<vmem>>, vector<1x16xf32>,
          %parallel_loop3A_349 = vector.shape_cast %parallel_loop3A_348 : vector<1x16xf32> to vector<16xf32>
          %parallel_loop3A_350 = arith.addf %parallel_loop3A_349, %parallel_loop3A_341 : vector<16xf32>
          %parallel_loop3A_351 = arith.index_cast %parallel_loop3A_249 : i32 to index
          %parallel_loop3A_352 = arith.constant 112 : index
          %parallel_loop3A_353 = tpu.vector_load %arg8[%parallel_loop3A_351, %parallel_loop3A_352] {strides = array<i32>} : memref<128x128xf32, #tpu.memory_space<vmem>>, vector<1x16xf32>,
          %parallel_loop3A_354 = vector.shape_cast %parallel_loop3A_353 : vector<1x16xf32> to vector<16xf32>
          %parallel_loop3A_355 = arith.addf %parallel_loop3A_354, %parallel_loop3A_345 : vector<16xf32>
          %parallel_loop3A_356 = arith.constant 0.000000e+00 : f32
          %parallel_loop3A_357 = vector.broadcast %parallel_loop3A_356 : f32 to vector<16xf32>
          %parallel_loop3A_358 = arith.maximumf %parallel_loop3A_350, %parallel_loop3A_357 : vector<16xf32>
          %parallel_loop3A_359 = arith.constant 0.000000e+00 : f32
          %parallel_loop3A_360 = vector.broadcast %parallel_loop3A_359 : f32 to vector<16xf32>
          %parallel_loop3A_361 = arith.maximumf %parallel_loop3A_355, %parallel_loop3A_360 : vector<16xf32>
          %parallel_loop3A_362 = arith.index_cast %parallel_loop3A_133 : i32 to index
          %parallel_loop3A_363 = arith.constant 0 : index
          %parallel_loop3A_364 = tpu.vector_load %arg8[%parallel_loop3A_362, %parallel_loop3A_363] {strides = array<i32>} : memref<128x128xf32, #tpu.memory_space<vmem>>, vector<1x16xf32>,
          %parallel_loop3A_365 = vector.shape_cast %parallel_loop3A_364 : vector<1x16xf32> to vector<16xf32>
          %parallel_loop3A_366 = vector.shape_cast %parallel_loop3A_158 : vector<16xf32> to vector<1x16xf32>
          tpu.vector_store %arg8[%parallel_loop3A_362, %parallel_loop3A_363], %parallel_loop3A_366 {strides = array<i32>} : memref<128x128xf32, #tpu.memory_space<vmem>>, vector<1x16xf32>,
          %parallel_loop3A_367 = arith.index_cast %parallel_loop3A_133 : i32 to index
          %parallel_loop3A_368 = arith.constant 16 : index
          %parallel_loop3A_369 = tpu.vector_load %arg8[%parallel_loop3A_367, %parallel_loop3A_368] {strides = array<i32>} : memref<128x128xf32, #tpu.memory_space<vmem>>, vector<1x16xf32>,
          %parallel_loop3A_370 = vector.shape_cast %parallel_loop3A_369 : vector<1x16xf32> to vector<16xf32>
          %parallel_loop3A_371 = vector.shape_cast %parallel_loop3A_161 : vector<16xf32> to vector<1x16xf32>
          tpu.vector_store %arg8[%parallel_loop3A_367, %parallel_loop3A_368], %parallel_loop3A_371 {strides = array<i32>} : memref<128x128xf32, #tpu.memory_space<vmem>>, vector<1x16xf32>,
          %parallel_loop3A_372 = arith.index_cast %parallel_loop3A_133 : i32 to index
          %parallel_loop3A_373 = arith.constant 32 : index
          %parallel_loop3A_374 = tpu.vector_load %arg8[%parallel_loop3A_372, %parallel_loop3A_373] {strides = array<i32>} : memref<128x128xf32, #tpu.memory_space<vmem>>, vector<1x16xf32>,
          %parallel_loop3A_375 = vector.shape_cast %parallel_loop3A_374 : vector<1x16xf32> to vector<16xf32>
          %parallel_loop3A_376 = vector.shape_cast %parallel_loop3A_186 : vector<16xf32> to vector<1x16xf32>
          tpu.vector_store %arg8[%parallel_loop3A_372, %parallel_loop3A_373], %parallel_loop3A_376 {strides = array<i32>} : memref<128x128xf32, #tpu.memory_space<vmem>>, vector<1x16xf32>,
          %parallel_loop3A_377 = arith.index_cast %parallel_loop3A_133 : i32 to index
          %parallel_loop3A_378 = arith.constant 48 : index
          %parallel_loop3A_379 = tpu.vector_load %arg8[%parallel_loop3A_377, %parallel_loop3A_378] {strides = array<i32>} : memref<128x128xf32, #tpu.memory_space<vmem>>, vector<1x16xf32>,
          %parallel_loop3A_380 = vector.shape_cast %parallel_loop3A_379 : vector<1x16xf32> to vector<16xf32>
          %parallel_loop3A_381 = vector.shape_cast %parallel_loop3A_189 : vector<16xf32> to vector<1x16xf32>
          tpu.vector_store %arg8[%parallel_loop3A_377, %parallel_loop3A_378], %parallel_loop3A_381 {strides = array<i32>} : memref<128x128xf32, #tpu.memory_space<vmem>>, vector<1x16xf32>,
          %parallel_loop3A_382 = arith.index_cast %parallel_loop3A_133 : i32 to index
          %parallel_loop3A_383 = arith.constant 64 : index
          %parallel_loop3A_384 = tpu.vector_load %arg8[%parallel_loop3A_382, %parallel_loop3A_383] {strides = array<i32>} : memref<128x128xf32, #tpu.memory_space<vmem>>, vector<1x16xf32>,
          %parallel_loop3A_385 = vector.shape_cast %parallel_loop3A_384 : vector<1x16xf32> to vector<16xf32>
          %parallel_loop3A_386 = vector.shape_cast %parallel_loop3A_214 : vector<16xf32> to vector<1x16xf32>
          tpu.vector_store %arg8[%parallel_loop3A_382, %parallel_loop3A_383], %parallel_loop3A_386 {strides = array<i32>} : memref<128x128xf32, #tpu.memory_space<vmem>>, vector<1x16xf32>,
          %parallel_loop3A_387 = arith.index_cast %parallel_loop3A_133 : i32 to index
          %parallel_loop3A_388 = arith.constant 80 : index
          %parallel_loop3A_389 = tpu.vector_load %arg8[%parallel_loop3A_387, %parallel_loop3A_388] {strides = array<i32>} : memref<128x128xf32, #tpu.memory_space<vmem>>, vector<1x16xf32>,
          %parallel_loop3A_390 = vector.shape_cast %parallel_loop3A_389 : vector<1x16xf32> to vector<16xf32>
          %parallel_loop3A_391 = vector.shape_cast %parallel_loop3A_217 : vector<16xf32> to vector<1x16xf32>
          tpu.vector_store %arg8[%parallel_loop3A_387, %parallel_loop3A_388], %parallel_loop3A_391 {strides = array<i32>} : memref<128x128xf32, #tpu.memory_space<vmem>>, vector<1x16xf32>,
          %parallel_loop3A_392 = arith.index_cast %parallel_loop3A_133 : i32 to index
          %parallel_loop3A_393 = arith.constant 96 : index
          %parallel_loop3A_394 = tpu.vector_load %arg8[%parallel_loop3A_392, %parallel_loop3A_393] {strides = array<i32>} : memref<128x128xf32, #tpu.memory_space<vmem>>, vector<1x16xf32>,
          %parallel_loop3A_395 = vector.shape_cast %parallel_loop3A_394 : vector<1x16xf32> to vector<16xf32>
          %parallel_loop3A_396 = vector.shape_cast %parallel_loop3A_242 : vector<16xf32> to vector<1x16xf32>
          tpu.vector_store %arg8[%parallel_loop3A_392, %parallel_loop3A_393], %parallel_loop3A_396 {strides = array<i32>} : memref<128x128xf32, #tpu.memory_space<vmem>>, vector<1x16xf32>,
          %parallel_loop3A_397 = arith.index_cast %parallel_loop3A_133 : i32 to index
          %parallel_loop3A_398 = arith.constant 112 : index
          %parallel_loop3A_399 = tpu.vector_load %arg8[%parallel_loop3A_397, %parallel_loop3A_398] {strides = array<i32>} : memref<128x128xf32, #tpu.memory_space<vmem>>, vector<1x16xf32>,
          %parallel_loop3A_400 = vector.shape_cast %parallel_loop3A_399 : vector<1x16xf32> to vector<16xf32>
          %parallel_loop3A_401 = vector.shape_cast %parallel_loop3A_245 : vector<16xf32> to vector<1x16xf32>
          tpu.vector_store %arg8[%parallel_loop3A_397, %parallel_loop3A_398], %parallel_loop3A_401 {strides = array<i32>} : memref<128x128xf32, #tpu.memory_space<vmem>>, vector<1x16xf32>,
          %parallel_loop3A_402 = arith.index_cast %parallel_loop3A_249 : i32 to index
          %parallel_loop3A_403 = arith.constant 0 : index
          %parallel_loop3A_404 = tpu.vector_load %arg8[%parallel_loop3A_402, %parallel_loop3A_403] {strides = array<i32>} : memref<128x128xf32, #tpu.memory_space<vmem>>, vector<1x16xf32>,
          %parallel_loop3A_405 = vector.shape_cast %parallel_loop3A_404 : vector<1x16xf32> to vector<16xf32>
          %parallel_loop3A_406 = vector.shape_cast %parallel_loop3A_274 : vector<16xf32> to vector<1x16xf32>
          tpu.vector_store %arg8[%parallel_loop3A_402, %parallel_loop3A_403], %parallel_loop3A_406 {strides = array<i32>} : memref<128x128xf32, #tpu.memory_space<vmem>>, vector<1x16xf32>,
          %parallel_loop3A_407 = arith.index_cast %parallel_loop3A_249 : i32 to index
          %parallel_loop3A_408 = arith.constant 16 : index
          %parallel_loop3A_409 = tpu.vector_load %arg8[%parallel_loop3A_407, %parallel_loop3A_408] {strides = array<i32>} : memref<128x128xf32, #tpu.memory_space<vmem>>, vector<1x16xf32>,
          %parallel_loop3A_410 = vector.shape_cast %parallel_loop3A_409 : vector<1x16xf32> to vector<16xf32>
          %parallel_loop3A_411 = vector.shape_cast %parallel_loop3A_277 : vector<16xf32> to vector<1x16xf32>
          tpu.vector_store %arg8[%parallel_loop3A_407, %parallel_loop3A_408], %parallel_loop3A_411 {strides = array<i32>} : memref<128x128xf32, #tpu.memory_space<vmem>>, vector<1x16xf32>,
          %parallel_loop3A_412 = arith.index_cast %parallel_loop3A_249 : i32 to index
          %parallel_loop3A_413 = arith.constant 32 : index
          %parallel_loop3A_414 = tpu.vector_load %arg8[%parallel_loop3A_412, %parallel_loop3A_413] {strides = array<i32>} : memref<128x128xf32, #tpu.memory_space<vmem>>, vector<1x16xf32>,
          %parallel_loop3A_415 = vector.shape_cast %parallel_loop3A_414 : vector<1x16xf32> to vector<16xf32>
          %parallel_loop3A_416 = vector.shape_cast %parallel_loop3A_302 : vector<16xf32> to vector<1x16xf32>
          tpu.vector_store %arg8[%parallel_loop3A_412, %parallel_loop3A_413], %parallel_loop3A_416 {strides = array<i32>} : memref<128x128xf32, #tpu.memory_space<vmem>>, vector<1x16xf32>,
          %parallel_loop3A_417 = arith.index_cast %parallel_loop3A_249 : i32 to index
          %parallel_loop3A_418 = arith.constant 48 : index
          %parallel_loop3A_419 = tpu.vector_load %arg8[%parallel_loop3A_417, %parallel_loop3A_418] {strides = array<i32>} : memref<128x128xf32, #tpu.memory_space<vmem>>, vector<1x16xf32>,
          %parallel_loop3A_420 = vector.shape_cast %parallel_loop3A_419 : vector<1x16xf32> to vector<16xf32>
          %parallel_loop3A_421 = vector.shape_cast %parallel_loop3A_305 : vector<16xf32> to vector<1x16xf32>
          tpu.vector_store %arg8[%parallel_loop3A_417, %parallel_loop3A_418], %parallel_loop3A_421 {strides = array<i32>} : memref<128x128xf32, #tpu.memory_space<vmem>>, vector<1x16xf32>,
          %parallel_loop3A_422 = arith.index_cast %parallel_loop3A_249 : i32 to index
          %parallel_loop3A_423 = arith.constant 64 : index
          %parallel_loop3A_424 = tpu.vector_load %arg8[%parallel_loop3A_422, %parallel_loop3A_423] {strides = array<i32>} : memref<128x128xf32, #tpu.memory_space<vmem>>, vector<1x16xf32>,
          %parallel_loop3A_425 = vector.shape_cast %parallel_loop3A_424 : vector<1x16xf32> to vector<16xf32>
          %parallel_loop3A_426 = vector.shape_cast %parallel_loop3A_330 : vector<16xf32> to vector<1x16xf32>
          tpu.vector_store %arg8[%parallel_loop3A_422, %parallel_loop3A_423], %parallel_loop3A_426 {strides = array<i32>} : memref<128x128xf32, #tpu.memory_space<vmem>>, vector<1x16xf32>,
          %parallel_loop3A_427 = arith.index_cast %parallel_loop3A_249 : i32 to index
          %parallel_loop3A_428 = arith.constant 80 : index
          %parallel_loop3A_429 = tpu.vector_load %arg8[%parallel_loop3A_427, %parallel_loop3A_428] {strides = array<i32>} : memref<128x128xf32, #tpu.memory_space<vmem>>, vector<1x16xf32>,
          %parallel_loop3A_430 = vector.shape_cast %parallel_loop3A_429 : vector<1x16xf32> to vector<16xf32>
          %parallel_loop3A_431 = vector.shape_cast %parallel_loop3A_333 : vector<16xf32> to vector<1x16xf32>
          tpu.vector_store %arg8[%parallel_loop3A_427, %parallel_loop3A_428], %parallel_loop3A_431 {strides = array<i32>} : memref<128x128xf32, #tpu.memory_space<vmem>>, vector<1x16xf32>,
          %parallel_loop3A_432 = arith.index_cast %parallel_loop3A_249 : i32 to index
          %parallel_loop3A_433 = arith.constant 96 : index
          %parallel_loop3A_434 = tpu.vector_load %arg8[%parallel_loop3A_432, %parallel_loop3A_433] {strides = array<i32>} : memref<128x128xf32, #tpu.memory_space<vmem>>, vector<1x16xf32>,
          %parallel_loop3A_435 = vector.shape_cast %parallel_loop3A_434 : vector<1x16xf32> to vector<16xf32>
          %parallel_loop3A_436 = vector.shape_cast %parallel_loop3A_358 : vector<16xf32> to vector<1x16xf32>
          tpu.vector_store %arg8[%parallel_loop3A_432, %parallel_loop3A_433], %parallel_loop3A_436 {strides = array<i32>} : memref<128x128xf32, #tpu.memory_space<vmem>>, vector<1x16xf32>,
          %parallel_loop3A_437 = arith.index_cast %parallel_loop3A_249 : i32 to index
          %parallel_loop3A_438 = arith.constant 112 : index
          %parallel_loop3A_439 = tpu.vector_load %arg8[%parallel_loop3A_437, %parallel_loop3A_438] {strides = array<i32>} : memref<128x128xf32, #tpu.memory_space<vmem>>, vector<1x16xf32>,
          %parallel_loop3A_440 = vector.shape_cast %parallel_loop3A_439 : vector<1x16xf32> to vector<16xf32>
          %parallel_loop3A_441 = vector.shape_cast %parallel_loop3A_361 : vector<16xf32> to vector<1x16xf32>
          tpu.vector_store %arg8[%parallel_loop3A_437, %parallel_loop3A_438], %parallel_loop3A_441 {strides = array<i32>} : memref<128x128xf32, #tpu.memory_space<vmem>>, vector<1x16xf32>,
        } {sc.loop_unroll_factor = 2 : i64, sc.parallel_access}
        %dma_start3A = arith.constant 1 : i32
        %dma_start3A_116 = arith.constant 0 : i32
        %dma_start3A_117 = tpu.memref_slice %arg6[%dma_start3A, %dma_start3A_116] : memref<2x128xi32, #tpu.memory_space<vmem>> -> memref<1x128xi32, #tpu.memory_space<vmem>>
        %dma_start3A_118 = tpu.memref_squeeze %dma_start3A_117 : memref<1x128xi32, #tpu.memory_space<vmem>> -> memref<128xi32, #tpu.memory_space<vmem>>
        %dma_start3A_119 = arith.constant 0 : i32
        %dma_start3A_120 = arith.constant 0 : i32
        %dma_start3A_121 = tpu.memref_slice %arg12[%dma_start3A_119, %dma_start3A_120] : memref<10112x128xf32, #tpu.memory_space<vmem_shared>> -> memref<10112x128xf32, #tpu.memory_space<vmem_shared>>
        tpu.enqueue_indirect_dma source(%arg8 : memref<128x128xf32, #tpu.memory_space<vmem>>) target(%dma_start3A_121 : memref<10112x128xf32, #tpu.memory_space<vmem_shared>>) offsets(%dma_start3A_118 : memref<128xi32, #tpu.memory_space<vmem>>) semaphore(%arg15 : memref<!tpu.dma_semaphore, #tpu.memory_space<semaphore_mem>>) {add = true}
        %add3A_122 = arith.constant 64 : i32
        %add3A_123 = arith.addi %add3A_82, %add3A_122 : i32
        %lt3A_124 = arith.constant 2500 : i32
        %lt3A_125 = arith.cmpi slt, %add3A_123, %lt3A_124 : i32
        %convert_element_type3A_126 = arith.extui %lt3A_125 : i1 to i32
        %cond3A_127 = arith.constant 0 : i32
        %cond3A_128 = arith.cmpi ne, %convert_element_type3A_126, %cond3A_127 : i32
        scf.if %cond3A_128 {
          %add3A_129 = arith.constant 64 : i32
          %add3A_130 = arith.addi %add3A_82, %add3A_129 : i32
          %mul3A_131 = arith.constant 64 : i32
          %mul3A_132 = arith.muli %add3A_130, %mul3A_131 : i32
          %dma_start3A_133 = arith.constant 0 : i32
          %dma_start3A_134 = tpu.memref_slice %arg3[%mul3A_132, %dma_start3A_133] : memref<160000x128xi32, #tpu.memory_space<hbm>> -> memref<64x128xi32, #tpu.memory_space<hbm>>
          %dma_start3A_135 = arith.constant 0 : i32
          %dma_start3A_136 = tpu.memref_slice %arg3[%mul3A_132, %dma_start3A_135] : memref<160000x128xi32, #tpu.memory_space<hbm>> -> memref<64x128xi32, #tpu.memory_space<hbm>>
          tpu.enqueue_dma source(%dma_start3A_136 : memref<64x128xi32, #tpu.memory_space<hbm>>) target(%arg10 : memref<64x128xi32, #tpu.memory_space<vmem>>) target_semaphore(%arg17 : memref<!tpu.dma_semaphore, #tpu.memory_space<semaphore_mem>>)
        } else {
        }
      } else {
      }
      %mul3A_88 = arith.constant 2 : i32
      %mul3A_89 = arith.muli %mul3A_88, %scan3A_51 : i32
      %add3A_90 = arith.constant 1 : i32
      %add3A_91 = arith.addi %mul3A_89, %add3A_90 : i32
      %mul3A_92 = arith.constant 32 : i32
      %mul3A_93 = arith.muli %add3A_91, %mul3A_92 : i32
      %add3A_94 = arith.addi %mul3A_93, %add3A : i32
      %lt3A_95 = arith.constant 2500 : i32
      %lt3A_96 = arith.cmpi slt, %add3A_94, %lt3A_95 : i32
      %convert_element_type3A_97 = arith.extui %lt3A_96 : i1 to i32
      %cond3A_98 = arith.constant 0 : i32
      %cond3A_99 = arith.cmpi ne, %convert_element_type3A_97, %cond3A_98 : i32
      scf.if %cond3A_99 {
        %dma_wait3A_101 = arith.constant 0 : i32
        %dma_wait3A_102 = arith.constant 0 : i32
        %dma_wait3A_103 = tpu.memref_slice %arg7[%dma_wait3A_101, %dma_wait3A_102] : memref<2x128xi32, #tpu.memory_space<vmem>> -> memref<1x128xi32, #tpu.memory_space<vmem>>
        %dma_wait3A_104 = tpu.memref_squeeze %dma_wait3A_103 : memref<1x128xi32, #tpu.memory_space<vmem>> -> memref<128xi32, #tpu.memory_space<vmem>>
        %dma_wait3A_105 = arith.constant 0 : i32
        %dma_wait3A_106 = arith.constant 0 : i32
        %dma_wait3A_107 = tpu.memref_slice %arg2[%dma_wait3A_105, %dma_wait3A_106] : memref<10000x128xf32, #tpu.memory_space<hbm>> -> memref<10000x128xf32, #tpu.memory_space<hbm>>
        tpu.wait_indirect_dma semaphore(%arg14 : memref<!tpu.dma_semaphore, #tpu.memory_space<semaphore_mem>>) src(%dma_wait3A_107 : memref<10000x128xf32, #tpu.memory_space<hbm>>) dst(%arg9 : memref<128x128xf32, #tpu.memory_space<vmem>>)
        %dma_wait3A_108 = arith.constant 0 : i32
        %dma_wait3A_109 = arith.constant 0 : i32
        %dma_wait3A_110 = tpu.memref_slice %arg3[%dma_wait3A_108, %dma_wait3A_109] : memref<160000x128xi32, #tpu.memory_space<hbm>> -> memref<64x128xi32, #tpu.memory_space<hbm>>
        %dma_wait3A_111 = arith.constant 0 : i32
        %dma_wait3A_112 = arith.constant 0 : i32
        %dma_wait3A_113 = tpu.memref_slice %arg3[%dma_wait3A_111, %dma_wait3A_112] : memref<160000x128xi32, #tpu.memory_space<hbm>> -> memref<64x128xi32, #tpu.memory_space<hbm>>
        tpu.wait_dma2 semaphore(%arg18 : memref<!tpu.dma_semaphore, #tpu.memory_space<semaphore_mem>>) src(%dma_wait3A_113 : memref<64x128xi32, #tpu.memory_space<hbm>>) dst(%arg11 : memref<64x128xi32, #tpu.memory_space<vmem>>)
        %parallel_loop3A = arith.constant 0 : i32
        %parallel_loop3A_114 = arith.constant 64 : i32
        %parallel_loop3A_115 = arith.constant 1 : i32
        scf.for %parallel_loop3A_129 = %parallel_loop3A to %parallel_loop3A_114 step %parallel_loop3A_115  : i32 {
          %parallel_loop3A_130 = arith.constant 2 : i32
          %parallel_loop3A_131 = arith.muli %parallel_loop3A_130, %parallel_loop3A_129 : i32
          %parallel_loop3A_132 = arith.constant 0 : i32
          %parallel_loop3A_133 = arith.addi %parallel_loop3A_131, %parallel_loop3A_132 : i32
          %parallel_loop3A_134 = arith.index_cast %parallel_loop3A_129 : i32 to index
          %parallel_loop3A_135 = arith.constant 0 : index
          %parallel_loop3A_136 = tpu.vector_load %arg11[%parallel_loop3A_134, %parallel_loop3A_135] {strides = array<i32>} : memref<64x128xi32, #tpu.memory_space<vmem>>, vector<1x16xi32>,
          %parallel_loop3A_137 = vector.shape_cast %parallel_loop3A_136 : vector<1x16xi32> to vector<16xi32>
          %parallel_loop3A_138 = arith.constant 16 : i32
          %parallel_loop3A_139 = vector.broadcast %parallel_loop3A_138 : i32 to vector<16xi32>
          %parallel_loop3A_140 = arith.shli %parallel_loop3A_137, %parallel_loop3A_139 : vector<16xi32>
          %parallel_loop3A_141 = tpu.bitcast %parallel_loop3A_140 : vector<16xi32> -> vector<16xf32>
          %parallel_loop3A_142 = arith.constant -65536 : i32
          %parallel_loop3A_143 = vector.broadcast %parallel_loop3A_142 : i32 to vector<16xi32>
          %parallel_loop3A_144 = arith.andi %parallel_loop3A_137, %parallel_loop3A_143 : vector<16xi32>
          %parallel_loop3A_145 = tpu.bitcast %parallel_loop3A_144 : vector<16xi32> -> vector<16xf32>
          %parallel_loop3A_146 = arith.index_cast %parallel_loop3A_133 : i32 to index
          %parallel_loop3A_147 = arith.constant 0 : index
          %parallel_loop3A_148 = tpu.vector_load %arg9[%parallel_loop3A_146, %parallel_loop3A_147] {strides = array<i32>} : memref<128x128xf32, #tpu.memory_space<vmem>>, vector<1x16xf32>,
          %parallel_loop3A_149 = vector.shape_cast %parallel_loop3A_148 : vector<1x16xf32> to vector<16xf32>
          %parallel_loop3A_150 = arith.addf %parallel_loop3A_149, %parallel_loop3A_141 : vector<16xf32>
          %parallel_loop3A_151 = arith.index_cast %parallel_loop3A_133 : i32 to index
          %parallel_loop3A_152 = arith.constant 16 : index
          %parallel_loop3A_153 = tpu.vector_load %arg9[%parallel_loop3A_151, %parallel_loop3A_152] {strides = array<i32>} : memref<128x128xf32, #tpu.memory_space<vmem>>, vector<1x16xf32>,
          %parallel_loop3A_154 = vector.shape_cast %parallel_loop3A_153 : vector<1x16xf32> to vector<16xf32>
          %parallel_loop3A_155 = arith.addf %parallel_loop3A_154, %parallel_loop3A_145 : vector<16xf32>
          %parallel_loop3A_156 = arith.constant 0.000000e+00 : f32
          %parallel_loop3A_157 = vector.broadcast %parallel_loop3A_156 : f32 to vector<16xf32>
          %parallel_loop3A_158 = arith.maximumf %parallel_loop3A_150, %parallel_loop3A_157 : vector<16xf32>
          %parallel_loop3A_159 = arith.constant 0.000000e+00 : f32
          %parallel_loop3A_160 = vector.broadcast %parallel_loop3A_159 : f32 to vector<16xf32>
          %parallel_loop3A_161 = arith.maximumf %parallel_loop3A_155, %parallel_loop3A_160 : vector<16xf32>
          %parallel_loop3A_162 = arith.index_cast %parallel_loop3A_129 : i32 to index
          %parallel_loop3A_163 = arith.constant 16 : index
          %parallel_loop3A_164 = tpu.vector_load %arg11[%parallel_loop3A_162, %parallel_loop3A_163] {strides = array<i32>} : memref<64x128xi32, #tpu.memory_space<vmem>>, vector<1x16xi32>,
          %parallel_loop3A_165 = vector.shape_cast %parallel_loop3A_164 : vector<1x16xi32> to vector<16xi32>
          %parallel_loop3A_166 = arith.constant 16 : i32
          %parallel_loop3A_167 = vector.broadcast %parallel_loop3A_166 : i32 to vector<16xi32>
          %parallel_loop3A_168 = arith.shli %parallel_loop3A_165, %parallel_loop3A_167 : vector<16xi32>
          %parallel_loop3A_169 = tpu.bitcast %parallel_loop3A_168 : vector<16xi32> -> vector<16xf32>
          %parallel_loop3A_170 = arith.constant -65536 : i32
          %parallel_loop3A_171 = vector.broadcast %parallel_loop3A_170 : i32 to vector<16xi32>
          %parallel_loop3A_172 = arith.andi %parallel_loop3A_165, %parallel_loop3A_171 : vector<16xi32>
          %parallel_loop3A_173 = tpu.bitcast %parallel_loop3A_172 : vector<16xi32> -> vector<16xf32>
          %parallel_loop3A_174 = arith.index_cast %parallel_loop3A_133 : i32 to index
          %parallel_loop3A_175 = arith.constant 32 : index
          %parallel_loop3A_176 = tpu.vector_load %arg9[%parallel_loop3A_174, %parallel_loop3A_175] {strides = array<i32>} : memref<128x128xf32, #tpu.memory_space<vmem>>, vector<1x16xf32>,
          %parallel_loop3A_177 = vector.shape_cast %parallel_loop3A_176 : vector<1x16xf32> to vector<16xf32>
          %parallel_loop3A_178 = arith.addf %parallel_loop3A_177, %parallel_loop3A_169 : vector<16xf32>
          %parallel_loop3A_179 = arith.index_cast %parallel_loop3A_133 : i32 to index
          %parallel_loop3A_180 = arith.constant 48 : index
          %parallel_loop3A_181 = tpu.vector_load %arg9[%parallel_loop3A_179, %parallel_loop3A_180] {strides = array<i32>} : memref<128x128xf32, #tpu.memory_space<vmem>>, vector<1x16xf32>,
          %parallel_loop3A_182 = vector.shape_cast %parallel_loop3A_181 : vector<1x16xf32> to vector<16xf32>
          %parallel_loop3A_183 = arith.addf %parallel_loop3A_182, %parallel_loop3A_173 : vector<16xf32>
          %parallel_loop3A_184 = arith.constant 0.000000e+00 : f32
          %parallel_loop3A_185 = vector.broadcast %parallel_loop3A_184 : f32 to vector<16xf32>
          %parallel_loop3A_186 = arith.maximumf %parallel_loop3A_178, %parallel_loop3A_185 : vector<16xf32>
          %parallel_loop3A_187 = arith.constant 0.000000e+00 : f32
          %parallel_loop3A_188 = vector.broadcast %parallel_loop3A_187 : f32 to vector<16xf32>
          %parallel_loop3A_189 = arith.maximumf %parallel_loop3A_183, %parallel_loop3A_188 : vector<16xf32>
          %parallel_loop3A_190 = arith.index_cast %parallel_loop3A_129 : i32 to index
          %parallel_loop3A_191 = arith.constant 32 : index
          %parallel_loop3A_192 = tpu.vector_load %arg11[%parallel_loop3A_190, %parallel_loop3A_191] {strides = array<i32>} : memref<64x128xi32, #tpu.memory_space<vmem>>, vector<1x16xi32>,
          %parallel_loop3A_193 = vector.shape_cast %parallel_loop3A_192 : vector<1x16xi32> to vector<16xi32>
          %parallel_loop3A_194 = arith.constant 16 : i32
          %parallel_loop3A_195 = vector.broadcast %parallel_loop3A_194 : i32 to vector<16xi32>
          %parallel_loop3A_196 = arith.shli %parallel_loop3A_193, %parallel_loop3A_195 : vector<16xi32>
          %parallel_loop3A_197 = tpu.bitcast %parallel_loop3A_196 : vector<16xi32> -> vector<16xf32>
          %parallel_loop3A_198 = arith.constant -65536 : i32
          %parallel_loop3A_199 = vector.broadcast %parallel_loop3A_198 : i32 to vector<16xi32>
          %parallel_loop3A_200 = arith.andi %parallel_loop3A_193, %parallel_loop3A_199 : vector<16xi32>
          %parallel_loop3A_201 = tpu.bitcast %parallel_loop3A_200 : vector<16xi32> -> vector<16xf32>
          %parallel_loop3A_202 = arith.index_cast %parallel_loop3A_133 : i32 to index
          %parallel_loop3A_203 = arith.constant 64 : index
          %parallel_loop3A_204 = tpu.vector_load %arg9[%parallel_loop3A_202, %parallel_loop3A_203] {strides = array<i32>} : memref<128x128xf32, #tpu.memory_space<vmem>>, vector<1x16xf32>,
          %parallel_loop3A_205 = vector.shape_cast %parallel_loop3A_204 : vector<1x16xf32> to vector<16xf32>
          %parallel_loop3A_206 = arith.addf %parallel_loop3A_205, %parallel_loop3A_197 : vector<16xf32>
          %parallel_loop3A_207 = arith.index_cast %parallel_loop3A_133 : i32 to index
          %parallel_loop3A_208 = arith.constant 80 : index
          %parallel_loop3A_209 = tpu.vector_load %arg9[%parallel_loop3A_207, %parallel_loop3A_208] {strides = array<i32>} : memref<128x128xf32, #tpu.memory_space<vmem>>, vector<1x16xf32>,
          %parallel_loop3A_210 = vector.shape_cast %parallel_loop3A_209 : vector<1x16xf32> to vector<16xf32>
          %parallel_loop3A_211 = arith.addf %parallel_loop3A_210, %parallel_loop3A_201 : vector<16xf32>
          %parallel_loop3A_212 = arith.constant 0.000000e+00 : f32
          %parallel_loop3A_213 = vector.broadcast %parallel_loop3A_212 : f32 to vector<16xf32>
          %parallel_loop3A_214 = arith.maximumf %parallel_loop3A_206, %parallel_loop3A_213 : vector<16xf32>
          %parallel_loop3A_215 = arith.constant 0.000000e+00 : f32
          %parallel_loop3A_216 = vector.broadcast %parallel_loop3A_215 : f32 to vector<16xf32>
          %parallel_loop3A_217 = arith.maximumf %parallel_loop3A_211, %parallel_loop3A_216 : vector<16xf32>
          %parallel_loop3A_218 = arith.index_cast %parallel_loop3A_129 : i32 to index
          %parallel_loop3A_219 = arith.constant 48 : index
          %parallel_loop3A_220 = tpu.vector_load %arg11[%parallel_loop3A_218, %parallel_loop3A_219] {strides = array<i32>} : memref<64x128xi32, #tpu.memory_space<vmem>>, vector<1x16xi32>,
          %parallel_loop3A_221 = vector.shape_cast %parallel_loop3A_220 : vector<1x16xi32> to vector<16xi32>
          %parallel_loop3A_222 = arith.constant 16 : i32
          %parallel_loop3A_223 = vector.broadcast %parallel_loop3A_222 : i32 to vector<16xi32>
          %parallel_loop3A_224 = arith.shli %parallel_loop3A_221, %parallel_loop3A_223 : vector<16xi32>
          %parallel_loop3A_225 = tpu.bitcast %parallel_loop3A_224 : vector<16xi32> -> vector<16xf32>
          %parallel_loop3A_226 = arith.constant -65536 : i32
          %parallel_loop3A_227 = vector.broadcast %parallel_loop3A_226 : i32 to vector<16xi32>
          %parallel_loop3A_228 = arith.andi %parallel_loop3A_221, %parallel_loop3A_227 : vector<16xi32>
          %parallel_loop3A_229 = tpu.bitcast %parallel_loop3A_228 : vector<16xi32> -> vector<16xf32>
          %parallel_loop3A_230 = arith.index_cast %parallel_loop3A_133 : i32 to index
          %parallel_loop3A_231 = arith.constant 96 : index
          %parallel_loop3A_232 = tpu.vector_load %arg9[%parallel_loop3A_230, %parallel_loop3A_231] {strides = array<i32>} : memref<128x128xf32, #tpu.memory_space<vmem>>, vector<1x16xf32>,
          %parallel_loop3A_233 = vector.shape_cast %parallel_loop3A_232 : vector<1x16xf32> to vector<16xf32>
          %parallel_loop3A_234 = arith.addf %parallel_loop3A_233, %parallel_loop3A_225 : vector<16xf32>
          %parallel_loop3A_235 = arith.index_cast %parallel_loop3A_133 : i32 to index
          %parallel_loop3A_236 = arith.constant 112 : index
          %parallel_loop3A_237 = tpu.vector_load %arg9[%parallel_loop3A_235, %parallel_loop3A_236] {strides = array<i32>} : memref<128x128xf32, #tpu.memory_space<vmem>>, vector<1x16xf32>,
          %parallel_loop3A_238 = vector.shape_cast %parallel_loop3A_237 : vector<1x16xf32> to vector<16xf32>
          %parallel_loop3A_239 = arith.addf %parallel_loop3A_238, %parallel_loop3A_229 : vector<16xf32>
          %parallel_loop3A_240 = arith.constant 0.000000e+00 : f32
          %parallel_loop3A_241 = vector.broadcast %parallel_loop3A_240 : f32 to vector<16xf32>
          %parallel_loop3A_242 = arith.maximumf %parallel_loop3A_234, %parallel_loop3A_241 : vector<16xf32>
          %parallel_loop3A_243 = arith.constant 0.000000e+00 : f32
          %parallel_loop3A_244 = vector.broadcast %parallel_loop3A_243 : f32 to vector<16xf32>
          %parallel_loop3A_245 = arith.maximumf %parallel_loop3A_239, %parallel_loop3A_244 : vector<16xf32>
          %parallel_loop3A_246 = arith.constant 2 : i32
          %parallel_loop3A_247 = arith.muli %parallel_loop3A_246, %parallel_loop3A_129 : i32
          %parallel_loop3A_248 = arith.constant 1 : i32
          %parallel_loop3A_249 = arith.addi %parallel_loop3A_247, %parallel_loop3A_248 : i32
          %parallel_loop3A_250 = arith.index_cast %parallel_loop3A_129 : i32 to index
          %parallel_loop3A_251 = arith.constant 64 : index
          %parallel_loop3A_252 = tpu.vector_load %arg11[%parallel_loop3A_250, %parallel_loop3A_251] {strides = array<i32>} : memref<64x128xi32, #tpu.memory_space<vmem>>, vector<1x16xi32>,
          %parallel_loop3A_253 = vector.shape_cast %parallel_loop3A_252 : vector<1x16xi32> to vector<16xi32>
          %parallel_loop3A_254 = arith.constant 16 : i32
          %parallel_loop3A_255 = vector.broadcast %parallel_loop3A_254 : i32 to vector<16xi32>
          %parallel_loop3A_256 = arith.shli %parallel_loop3A_253, %parallel_loop3A_255 : vector<16xi32>
          %parallel_loop3A_257 = tpu.bitcast %parallel_loop3A_256 : vector<16xi32> -> vector<16xf32>
          %parallel_loop3A_258 = arith.constant -65536 : i32
          %parallel_loop3A_259 = vector.broadcast %parallel_loop3A_258 : i32 to vector<16xi32>
          %parallel_loop3A_260 = arith.andi %parallel_loop3A_253, %parallel_loop3A_259 : vector<16xi32>
          %parallel_loop3A_261 = tpu.bitcast %parallel_loop3A_260 : vector<16xi32> -> vector<16xf32>
          %parallel_loop3A_262 = arith.index_cast %parallel_loop3A_249 : i32 to index
          %parallel_loop3A_263 = arith.constant 0 : index
          %parallel_loop3A_264 = tpu.vector_load %arg9[%parallel_loop3A_262, %parallel_loop3A_263] {strides = array<i32>} : memref<128x128xf32, #tpu.memory_space<vmem>>, vector<1x16xf32>,
          %parallel_loop3A_265 = vector.shape_cast %parallel_loop3A_264 : vector<1x16xf32> to vector<16xf32>
          %parallel_loop3A_266 = arith.addf %parallel_loop3A_265, %parallel_loop3A_257 : vector<16xf32>
          %parallel_loop3A_267 = arith.index_cast %parallel_loop3A_249 : i32 to index
          %parallel_loop3A_268 = arith.constant 16 : index
          %parallel_loop3A_269 = tpu.vector_load %arg9[%parallel_loop3A_267, %parallel_loop3A_268] {strides = array<i32>} : memref<128x128xf32, #tpu.memory_space<vmem>>, vector<1x16xf32>,
          %parallel_loop3A_270 = vector.shape_cast %parallel_loop3A_269 : vector<1x16xf32> to vector<16xf32>
          %parallel_loop3A_271 = arith.addf %parallel_loop3A_270, %parallel_loop3A_261 : vector<16xf32>
          %parallel_loop3A_272 = arith.constant 0.000000e+00 : f32
          %parallel_loop3A_273 = vector.broadcast %parallel_loop3A_272 : f32 to vector<16xf32>
          %parallel_loop3A_274 = arith.maximumf %parallel_loop3A_266, %parallel_loop3A_273 : vector<16xf32>
          %parallel_loop3A_275 = arith.constant 0.000000e+00 : f32
          %parallel_loop3A_276 = vector.broadcast %parallel_loop3A_275 : f32 to vector<16xf32>
          %parallel_loop3A_277 = arith.maximumf %parallel_loop3A_271, %parallel_loop3A_276 : vector<16xf32>
          %parallel_loop3A_278 = arith.index_cast %parallel_loop3A_129 : i32 to index
          %parallel_loop3A_279 = arith.constant 80 : index
          %parallel_loop3A_280 = tpu.vector_load %arg11[%parallel_loop3A_278, %parallel_loop3A_279] {strides = array<i32>} : memref<64x128xi32, #tpu.memory_space<vmem>>, vector<1x16xi32>,
          %parallel_loop3A_281 = vector.shape_cast %parallel_loop3A_280 : vector<1x16xi32> to vector<16xi32>
          %parallel_loop3A_282 = arith.constant 16 : i32
          %parallel_loop3A_283 = vector.broadcast %parallel_loop3A_282 : i32 to vector<16xi32>
          %parallel_loop3A_284 = arith.shli %parallel_loop3A_281, %parallel_loop3A_283 : vector<16xi32>
          %parallel_loop3A_285 = tpu.bitcast %parallel_loop3A_284 : vector<16xi32> -> vector<16xf32>
          %parallel_loop3A_286 = arith.constant -65536 : i32
          %parallel_loop3A_287 = vector.broadcast %parallel_loop3A_286 : i32 to vector<16xi32>
          %parallel_loop3A_288 = arith.andi %parallel_loop3A_281, %parallel_loop3A_287 : vector<16xi32>
          %parallel_loop3A_289 = tpu.bitcast %parallel_loop3A_288 : vector<16xi32> -> vector<16xf32>
          %parallel_loop3A_290 = arith.index_cast %parallel_loop3A_249 : i32 to index
          %parallel_loop3A_291 = arith.constant 32 : index
          %parallel_loop3A_292 = tpu.vector_load %arg9[%parallel_loop3A_290, %parallel_loop3A_291] {strides = array<i32>} : memref<128x128xf32, #tpu.memory_space<vmem>>, vector<1x16xf32>,
          %parallel_loop3A_293 = vector.shape_cast %parallel_loop3A_292 : vector<1x16xf32> to vector<16xf32>
          %parallel_loop3A_294 = arith.addf %parallel_loop3A_293, %parallel_loop3A_285 : vector<16xf32>
          %parallel_loop3A_295 = arith.index_cast %parallel_loop3A_249 : i32 to index
          %parallel_loop3A_296 = arith.constant 48 : index
          %parallel_loop3A_297 = tpu.vector_load %arg9[%parallel_loop3A_295, %parallel_loop3A_296] {strides = array<i32>} : memref<128x128xf32, #tpu.memory_space<vmem>>, vector<1x16xf32>,
          %parallel_loop3A_298 = vector.shape_cast %parallel_loop3A_297 : vector<1x16xf32> to vector<16xf32>
          %parallel_loop3A_299 = arith.addf %parallel_loop3A_298, %parallel_loop3A_289 : vector<16xf32>
          %parallel_loop3A_300 = arith.constant 0.000000e+00 : f32
          %parallel_loop3A_301 = vector.broadcast %parallel_loop3A_300 : f32 to vector<16xf32>
          %parallel_loop3A_302 = arith.maximumf %parallel_loop3A_294, %parallel_loop3A_301 : vector<16xf32>
          %parallel_loop3A_303 = arith.constant 0.000000e+00 : f32
          %parallel_loop3A_304 = vector.broadcast %parallel_loop3A_303 : f32 to vector<16xf32>
          %parallel_loop3A_305 = arith.maximumf %parallel_loop3A_299, %parallel_loop3A_304 : vector<16xf32>
          %parallel_loop3A_306 = arith.index_cast %parallel_loop3A_129 : i32 to index
          %parallel_loop3A_307 = arith.constant 96 : index
          %parallel_loop3A_308 = tpu.vector_load %arg11[%parallel_loop3A_306, %parallel_loop3A_307] {strides = array<i32>} : memref<64x128xi32, #tpu.memory_space<vmem>>, vector<1x16xi32>,
          %parallel_loop3A_309 = vector.shape_cast %parallel_loop3A_308 : vector<1x16xi32> to vector<16xi32>
          %parallel_loop3A_310 = arith.constant 16 : i32
          %parallel_loop3A_311 = vector.broadcast %parallel_loop3A_310 : i32 to vector<16xi32>
          %parallel_loop3A_312 = arith.shli %parallel_loop3A_309, %parallel_loop3A_311 : vector<16xi32>
          %parallel_loop3A_313 = tpu.bitcast %parallel_loop3A_312 : vector<16xi32> -> vector<16xf32>
          %parallel_loop3A_314 = arith.constant -65536 : i32
          %parallel_loop3A_315 = vector.broadcast %parallel_loop3A_314 : i32 to vector<16xi32>
          %parallel_loop3A_316 = arith.andi %parallel_loop3A_309, %parallel_loop3A_315 : vector<16xi32>
          %parallel_loop3A_317 = tpu.bitcast %parallel_loop3A_316 : vector<16xi32> -> vector<16xf32>
          %parallel_loop3A_318 = arith.index_cast %parallel_loop3A_249 : i32 to index
          %parallel_loop3A_319 = arith.constant 64 : index
          %parallel_loop3A_320 = tpu.vector_load %arg9[%parallel_loop3A_318, %parallel_loop3A_319] {strides = array<i32>} : memref<128x128xf32, #tpu.memory_space<vmem>>, vector<1x16xf32>,
          %parallel_loop3A_321 = vector.shape_cast %parallel_loop3A_320 : vector<1x16xf32> to vector<16xf32>
          %parallel_loop3A_322 = arith.addf %parallel_loop3A_321, %parallel_loop3A_313 : vector<16xf32>
          %parallel_loop3A_323 = arith.index_cast %parallel_loop3A_249 : i32 to index
          %parallel_loop3A_324 = arith.constant 80 : index
          %parallel_loop3A_325 = tpu.vector_load %arg9[%parallel_loop3A_323, %parallel_loop3A_324] {strides = array<i32>} : memref<128x128xf32, #tpu.memory_space<vmem>>, vector<1x16xf32>,
          %parallel_loop3A_326 = vector.shape_cast %parallel_loop3A_325 : vector<1x16xf32> to vector<16xf32>
          %parallel_loop3A_327 = arith.addf %parallel_loop3A_326, %parallel_loop3A_317 : vector<16xf32>
          %parallel_loop3A_328 = arith.constant 0.000000e+00 : f32
          %parallel_loop3A_329 = vector.broadcast %parallel_loop3A_328 : f32 to vector<16xf32>
          %parallel_loop3A_330 = arith.maximumf %parallel_loop3A_322, %parallel_loop3A_329 : vector<16xf32>
          %parallel_loop3A_331 = arith.constant 0.000000e+00 : f32
          %parallel_loop3A_332 = vector.broadcast %parallel_loop3A_331 : f32 to vector<16xf32>
          %parallel_loop3A_333 = arith.maximumf %parallel_loop3A_327, %parallel_loop3A_332 : vector<16xf32>
          %parallel_loop3A_334 = arith.index_cast %parallel_loop3A_129 : i32 to index
          %parallel_loop3A_335 = arith.constant 112 : index
          %parallel_loop3A_336 = tpu.vector_load %arg11[%parallel_loop3A_334, %parallel_loop3A_335] {strides = array<i32>} : memref<64x128xi32, #tpu.memory_space<vmem>>, vector<1x16xi32>,
          %parallel_loop3A_337 = vector.shape_cast %parallel_loop3A_336 : vector<1x16xi32> to vector<16xi32>
          %parallel_loop3A_338 = arith.constant 16 : i32
          %parallel_loop3A_339 = vector.broadcast %parallel_loop3A_338 : i32 to vector<16xi32>
          %parallel_loop3A_340 = arith.shli %parallel_loop3A_337, %parallel_loop3A_339 : vector<16xi32>
          %parallel_loop3A_341 = tpu.bitcast %parallel_loop3A_340 : vector<16xi32> -> vector<16xf32>
          %parallel_loop3A_342 = arith.constant -65536 : i32
          %parallel_loop3A_343 = vector.broadcast %parallel_loop3A_342 : i32 to vector<16xi32>
          %parallel_loop3A_344 = arith.andi %parallel_loop3A_337, %parallel_loop3A_343 : vector<16xi32>
          %parallel_loop3A_345 = tpu.bitcast %parallel_loop3A_344 : vector<16xi32> -> vector<16xf32>
          %parallel_loop3A_346 = arith.index_cast %parallel_loop3A_249 : i32 to index
          %parallel_loop3A_347 = arith.constant 96 : index
          %parallel_loop3A_348 = tpu.vector_load %arg9[%parallel_loop3A_346, %parallel_loop3A_347] {strides = array<i32>} : memref<128x128xf32, #tpu.memory_space<vmem>>, vector<1x16xf32>,
          %parallel_loop3A_349 = vector.shape_cast %parallel_loop3A_348 : vector<1x16xf32> to vector<16xf32>
          %parallel_loop3A_350 = arith.addf %parallel_loop3A_349, %parallel_loop3A_341 : vector<16xf32>
          %parallel_loop3A_351 = arith.index_cast %parallel_loop3A_249 : i32 to index
          %parallel_loop3A_352 = arith.constant 112 : index
          %parallel_loop3A_353 = tpu.vector_load %arg9[%parallel_loop3A_351, %parallel_loop3A_352] {strides = array<i32>} : memref<128x128xf32, #tpu.memory_space<vmem>>, vector<1x16xf32>,
          %parallel_loop3A_354 = vector.shape_cast %parallel_loop3A_353 : vector<1x16xf32> to vector<16xf32>
          %parallel_loop3A_355 = arith.addf %parallel_loop3A_354, %parallel_loop3A_345 : vector<16xf32>
          %parallel_loop3A_356 = arith.constant 0.000000e+00 : f32
          %parallel_loop3A_357 = vector.broadcast %parallel_loop3A_356 : f32 to vector<16xf32>
          %parallel_loop3A_358 = arith.maximumf %parallel_loop3A_350, %parallel_loop3A_357 : vector<16xf32>
          %parallel_loop3A_359 = arith.constant 0.000000e+00 : f32
          %parallel_loop3A_360 = vector.broadcast %parallel_loop3A_359 : f32 to vector<16xf32>
          %parallel_loop3A_361 = arith.maximumf %parallel_loop3A_355, %parallel_loop3A_360 : vector<16xf32>
          %parallel_loop3A_362 = arith.index_cast %parallel_loop3A_133 : i32 to index
          %parallel_loop3A_363 = arith.constant 0 : index
          %parallel_loop3A_364 = tpu.vector_load %arg9[%parallel_loop3A_362, %parallel_loop3A_363] {strides = array<i32>} : memref<128x128xf32, #tpu.memory_space<vmem>>, vector<1x16xf32>,
          %parallel_loop3A_365 = vector.shape_cast %parallel_loop3A_364 : vector<1x16xf32> to vector<16xf32>
          %parallel_loop3A_366 = vector.shape_cast %parallel_loop3A_158 : vector<16xf32> to vector<1x16xf32>
          tpu.vector_store %arg9[%parallel_loop3A_362, %parallel_loop3A_363], %parallel_loop3A_366 {strides = array<i32>} : memref<128x128xf32, #tpu.memory_space<vmem>>, vector<1x16xf32>,
          %parallel_loop3A_367 = arith.index_cast %parallel_loop3A_133 : i32 to index
          %parallel_loop3A_368 = arith.constant 16 : index
          %parallel_loop3A_369 = tpu.vector_load %arg9[%parallel_loop3A_367, %parallel_loop3A_368] {strides = array<i32>} : memref<128x128xf32, #tpu.memory_space<vmem>>, vector<1x16xf32>,
          %parallel_loop3A_370 = vector.shape_cast %parallel_loop3A_369 : vector<1x16xf32> to vector<16xf32>
          %parallel_loop3A_371 = vector.shape_cast %parallel_loop3A_161 : vector<16xf32> to vector<1x16xf32>
          tpu.vector_store %arg9[%parallel_loop3A_367, %parallel_loop3A_368], %parallel_loop3A_371 {strides = array<i32>} : memref<128x128xf32, #tpu.memory_space<vmem>>, vector<1x16xf32>,
          %parallel_loop3A_372 = arith.index_cast %parallel_loop3A_133 : i32 to index
          %parallel_loop3A_373 = arith.constant 32 : index
          %parallel_loop3A_374 = tpu.vector_load %arg9[%parallel_loop3A_372, %parallel_loop3A_373] {strides = array<i32>} : memref<128x128xf32, #tpu.memory_space<vmem>>, vector<1x16xf32>,
          %parallel_loop3A_375 = vector.shape_cast %parallel_loop3A_374 : vector<1x16xf32> to vector<16xf32>
          %parallel_loop3A_376 = vector.shape_cast %parallel_loop3A_186 : vector<16xf32> to vector<1x16xf32>
          tpu.vector_store %arg9[%parallel_loop3A_372, %parallel_loop3A_373], %parallel_loop3A_376 {strides = array<i32>} : memref<128x128xf32, #tpu.memory_space<vmem>>, vector<1x16xf32>,
          %parallel_loop3A_377 = arith.index_cast %parallel_loop3A_133 : i32 to index
          %parallel_loop3A_378 = arith.constant 48 : index
          %parallel_loop3A_379 = tpu.vector_load %arg9[%parallel_loop3A_377, %parallel_loop3A_378] {strides = array<i32>} : memref<128x128xf32, #tpu.memory_space<vmem>>, vector<1x16xf32>,
          %parallel_loop3A_380 = vector.shape_cast %parallel_loop3A_379 : vector<1x16xf32> to vector<16xf32>
          %parallel_loop3A_381 = vector.shape_cast %parallel_loop3A_189 : vector<16xf32> to vector<1x16xf32>
          tpu.vector_store %arg9[%parallel_loop3A_377, %parallel_loop3A_378], %parallel_loop3A_381 {strides = array<i32>} : memref<128x128xf32, #tpu.memory_space<vmem>>, vector<1x16xf32>,
          %parallel_loop3A_382 = arith.index_cast %parallel_loop3A_133 : i32 to index
          %parallel_loop3A_383 = arith.constant 64 : index
          %parallel_loop3A_384 = tpu.vector_load %arg9[%parallel_loop3A_382, %parallel_loop3A_383] {strides = array<i32>} : memref<128x128xf32, #tpu.memory_space<vmem>>, vector<1x16xf32>,
          %parallel_loop3A_385 = vector.shape_cast %parallel_loop3A_384 : vector<1x16xf32> to vector<16xf32>
          %parallel_loop3A_386 = vector.shape_cast %parallel_loop3A_214 : vector<16xf32> to vector<1x16xf32>
          tpu.vector_store %arg9[%parallel_loop3A_382, %parallel_loop3A_383], %parallel_loop3A_386 {strides = array<i32>} : memref<128x128xf32, #tpu.memory_space<vmem>>, vector<1x16xf32>,
          %parallel_loop3A_387 = arith.index_cast %parallel_loop3A_133 : i32 to index
          %parallel_loop3A_388 = arith.constant 80 : index
          %parallel_loop3A_389 = tpu.vector_load %arg9[%parallel_loop3A_387, %parallel_loop3A_388] {strides = array<i32>} : memref<128x128xf32, #tpu.memory_space<vmem>>, vector<1x16xf32>,
          %parallel_loop3A_390 = vector.shape_cast %parallel_loop3A_389 : vector<1x16xf32> to vector<16xf32>
          %parallel_loop3A_391 = vector.shape_cast %parallel_loop3A_217 : vector<16xf32> to vector<1x16xf32>
          tpu.vector_store %arg9[%parallel_loop3A_387, %parallel_loop3A_388], %parallel_loop3A_391 {strides = array<i32>} : memref<128x128xf32, #tpu.memory_space<vmem>>, vector<1x16xf32>,
          %parallel_loop3A_392 = arith.index_cast %parallel_loop3A_133 : i32 to index
          %parallel_loop3A_393 = arith.constant 96 : index
          %parallel_loop3A_394 = tpu.vector_load %arg9[%parallel_loop3A_392, %parallel_loop3A_393] {strides = array<i32>} : memref<128x128xf32, #tpu.memory_space<vmem>>, vector<1x16xf32>,
          %parallel_loop3A_395 = vector.shape_cast %parallel_loop3A_394 : vector<1x16xf32> to vector<16xf32>
          %parallel_loop3A_396 = vector.shape_cast %parallel_loop3A_242 : vector<16xf32> to vector<1x16xf32>
          tpu.vector_store %arg9[%parallel_loop3A_392, %parallel_loop3A_393], %parallel_loop3A_396 {strides = array<i32>} : memref<128x128xf32, #tpu.memory_space<vmem>>, vector<1x16xf32>,
          %parallel_loop3A_397 = arith.index_cast %parallel_loop3A_133 : i32 to index
          %parallel_loop3A_398 = arith.constant 112 : index
          %parallel_loop3A_399 = tpu.vector_load %arg9[%parallel_loop3A_397, %parallel_loop3A_398] {strides = array<i32>} : memref<128x128xf32, #tpu.memory_space<vmem>>, vector<1x16xf32>,
          %parallel_loop3A_400 = vector.shape_cast %parallel_loop3A_399 : vector<1x16xf32> to vector<16xf32>
          %parallel_loop3A_401 = vector.shape_cast %parallel_loop3A_245 : vector<16xf32> to vector<1x16xf32>
          tpu.vector_store %arg9[%parallel_loop3A_397, %parallel_loop3A_398], %parallel_loop3A_401 {strides = array<i32>} : memref<128x128xf32, #tpu.memory_space<vmem>>, vector<1x16xf32>,
          %parallel_loop3A_402 = arith.index_cast %parallel_loop3A_249 : i32 to index
          %parallel_loop3A_403 = arith.constant 0 : index
          %parallel_loop3A_404 = tpu.vector_load %arg9[%parallel_loop3A_402, %parallel_loop3A_403] {strides = array<i32>} : memref<128x128xf32, #tpu.memory_space<vmem>>, vector<1x16xf32>,
          %parallel_loop3A_405 = vector.shape_cast %parallel_loop3A_404 : vector<1x16xf32> to vector<16xf32>
          %parallel_loop3A_406 = vector.shape_cast %parallel_loop3A_274 : vector<16xf32> to vector<1x16xf32>
          tpu.vector_store %arg9[%parallel_loop3A_402, %parallel_loop3A_403], %parallel_loop3A_406 {strides = array<i32>} : memref<128x128xf32, #tpu.memory_space<vmem>>, vector<1x16xf32>,
          %parallel_loop3A_407 = arith.index_cast %parallel_loop3A_249 : i32 to index
          %parallel_loop3A_408 = arith.constant 16 : index
          %parallel_loop3A_409 = tpu.vector_load %arg9[%parallel_loop3A_407, %parallel_loop3A_408] {strides = array<i32>} : memref<128x128xf32, #tpu.memory_space<vmem>>, vector<1x16xf32>,
          %parallel_loop3A_410 = vector.shape_cast %parallel_loop3A_409 : vector<1x16xf32> to vector<16xf32>
          %parallel_loop3A_411 = vector.shape_cast %parallel_loop3A_277 : vector<16xf32> to vector<1x16xf32>
          tpu.vector_store %arg9[%parallel_loop3A_407, %parallel_loop3A_408], %parallel_loop3A_411 {strides = array<i32>} : memref<128x128xf32, #tpu.memory_space<vmem>>, vector<1x16xf32>,
          %parallel_loop3A_412 = arith.index_cast %parallel_loop3A_249 : i32 to index
          %parallel_loop3A_413 = arith.constant 32 : index
          %parallel_loop3A_414 = tpu.vector_load %arg9[%parallel_loop3A_412, %parallel_loop3A_413] {strides = array<i32>} : memref<128x128xf32, #tpu.memory_space<vmem>>, vector<1x16xf32>,
          %parallel_loop3A_415 = vector.shape_cast %parallel_loop3A_414 : vector<1x16xf32> to vector<16xf32>
          %parallel_loop3A_416 = vector.shape_cast %parallel_loop3A_302 : vector<16xf32> to vector<1x16xf32>
          tpu.vector_store %arg9[%parallel_loop3A_412, %parallel_loop3A_413], %parallel_loop3A_416 {strides = array<i32>} : memref<128x128xf32, #tpu.memory_space<vmem>>, vector<1x16xf32>,
          %parallel_loop3A_417 = arith.index_cast %parallel_loop3A_249 : i32 to index
          %parallel_loop3A_418 = arith.constant 48 : index
          %parallel_loop3A_419 = tpu.vector_load %arg9[%parallel_loop3A_417, %parallel_loop3A_418] {strides = array<i32>} : memref<128x128xf32, #tpu.memory_space<vmem>>, vector<1x16xf32>,
          %parallel_loop3A_420 = vector.shape_cast %parallel_loop3A_419 : vector<1x16xf32> to vector<16xf32>
          %parallel_loop3A_421 = vector.shape_cast %parallel_loop3A_305 : vector<16xf32> to vector<1x16xf32>
          tpu.vector_store %arg9[%parallel_loop3A_417, %parallel_loop3A_418], %parallel_loop3A_421 {strides = array<i32>} : memref<128x128xf32, #tpu.memory_space<vmem>>, vector<1x16xf32>,
          %parallel_loop3A_422 = arith.index_cast %parallel_loop3A_249 : i32 to index
          %parallel_loop3A_423 = arith.constant 64 : index
          %parallel_loop3A_424 = tpu.vector_load %arg9[%parallel_loop3A_422, %parallel_loop3A_423] {strides = array<i32>} : memref<128x128xf32, #tpu.memory_space<vmem>>, vector<1x16xf32>,
          %parallel_loop3A_425 = vector.shape_cast %parallel_loop3A_424 : vector<1x16xf32> to vector<16xf32>
          %parallel_loop3A_426 = vector.shape_cast %parallel_loop3A_330 : vector<16xf32> to vector<1x16xf32>
          tpu.vector_store %arg9[%parallel_loop3A_422, %parallel_loop3A_423], %parallel_loop3A_426 {strides = array<i32>} : memref<128x128xf32, #tpu.memory_space<vmem>>, vector<1x16xf32>,
          %parallel_loop3A_427 = arith.index_cast %parallel_loop3A_249 : i32 to index
          %parallel_loop3A_428 = arith.constant 80 : index
          %parallel_loop3A_429 = tpu.vector_load %arg9[%parallel_loop3A_427, %parallel_loop3A_428] {strides = array<i32>} : memref<128x128xf32, #tpu.memory_space<vmem>>, vector<1x16xf32>,
          %parallel_loop3A_430 = vector.shape_cast %parallel_loop3A_429 : vector<1x16xf32> to vector<16xf32>
          %parallel_loop3A_431 = vector.shape_cast %parallel_loop3A_333 : vector<16xf32> to vector<1x16xf32>
          tpu.vector_store %arg9[%parallel_loop3A_427, %parallel_loop3A_428], %parallel_loop3A_431 {strides = array<i32>} : memref<128x128xf32, #tpu.memory_space<vmem>>, vector<1x16xf32>,
          %parallel_loop3A_432 = arith.index_cast %parallel_loop3A_249 : i32 to index
          %parallel_loop3A_433 = arith.constant 96 : index
          %parallel_loop3A_434 = tpu.vector_load %arg9[%parallel_loop3A_432, %parallel_loop3A_433] {strides = array<i32>} : memref<128x128xf32, #tpu.memory_space<vmem>>, vector<1x16xf32>,
          %parallel_loop3A_435 = vector.shape_cast %parallel_loop3A_434 : vector<1x16xf32> to vector<16xf32>
          %parallel_loop3A_436 = vector.shape_cast %parallel_loop3A_358 : vector<16xf32> to vector<1x16xf32>
          tpu.vector_store %arg9[%parallel_loop3A_432, %parallel_loop3A_433], %parallel_loop3A_436 {strides = array<i32>} : memref<128x128xf32, #tpu.memory_space<vmem>>, vector<1x16xf32>,
          %parallel_loop3A_437 = arith.index_cast %parallel_loop3A_249 : i32 to index
          %parallel_loop3A_438 = arith.constant 112 : index
          %parallel_loop3A_439 = tpu.vector_load %arg9[%parallel_loop3A_437, %parallel_loop3A_438] {strides = array<i32>} : memref<128x128xf32, #tpu.memory_space<vmem>>, vector<1x16xf32>,
          %parallel_loop3A_440 = vector.shape_cast %parallel_loop3A_439 : vector<1x16xf32> to vector<16xf32>
          %parallel_loop3A_441 = vector.shape_cast %parallel_loop3A_361 : vector<16xf32> to vector<1x16xf32>
          tpu.vector_store %arg9[%parallel_loop3A_437, %parallel_loop3A_438], %parallel_loop3A_441 {strides = array<i32>} : memref<128x128xf32, #tpu.memory_space<vmem>>, vector<1x16xf32>,
        } {sc.loop_unroll_factor = 2 : i64, sc.parallel_access}
        %dma_start3A = arith.constant 1 : i32
        %dma_start3A_116 = arith.constant 0 : i32
        %dma_start3A_117 = tpu.memref_slice %arg7[%dma_start3A, %dma_start3A_116] : memref<2x128xi32, #tpu.memory_space<vmem>> -> memref<1x128xi32, #tpu.memory_space<vmem>>
        %dma_start3A_118 = tpu.memref_squeeze %dma_start3A_117 : memref<1x128xi32, #tpu.memory_space<vmem>> -> memref<128xi32, #tpu.memory_space<vmem>>
        %dma_start3A_119 = arith.constant 0 : i32
        %dma_start3A_120 = arith.constant 0 : i32
        %dma_start3A_121 = tpu.memref_slice %arg12[%dma_start3A_119, %dma_start3A_120] : memref<10112x128xf32, #tpu.memory_space<vmem_shared>> -> memref<10112x128xf32, #tpu.memory_space<vmem_shared>>
        tpu.enqueue_indirect_dma source(%arg9 : memref<128x128xf32, #tpu.memory_space<vmem>>) target(%dma_start3A_121 : memref<10112x128xf32, #tpu.memory_space<vmem_shared>>) offsets(%dma_start3A_118 : memref<128xi32, #tpu.memory_space<vmem>>) semaphore(%arg16 : memref<!tpu.dma_semaphore, #tpu.memory_space<semaphore_mem>>) {add = true}
        %add3A_122 = arith.constant 64 : i32
        %add3A_123 = arith.addi %add3A_94, %add3A_122 : i32
        %lt3A_124 = arith.constant 2500 : i32
        %lt3A_125 = arith.cmpi slt, %add3A_123, %lt3A_124 : i32
        %convert_element_type3A_126 = arith.extui %lt3A_125 : i1 to i32
        %cond3A_127 = arith.constant 0 : i32
        %cond3A_128 = arith.cmpi ne, %convert_element_type3A_126, %cond3A_127 : i32
        scf.if %cond3A_128 {
          %add3A_129 = arith.constant 64 : i32
          %add3A_130 = arith.addi %add3A_94, %add3A_129 : i32
          %mul3A_131 = arith.constant 64 : i32
          %mul3A_132 = arith.muli %add3A_130, %mul3A_131 : i32
          %dma_start3A_133 = arith.constant 0 : i32
          %dma_start3A_134 = tpu.memref_slice %arg3[%mul3A_132, %dma_start3A_133] : memref<160000x128xi32, #tpu.memory_space<hbm>> -> memref<64x128xi32, #tpu.memory_space<hbm>>
          %dma_start3A_135 = arith.constant 0 : i32
          %dma_start3A_136 = tpu.memref_slice %arg3[%mul3A_132, %dma_start3A_135] : memref<160000x128xi32, #tpu.memory_space<hbm>> -> memref<64x128xi32, #tpu.memory_space<hbm>>
          tpu.enqueue_dma source(%dma_start3A_136 : memref<64x128xi32, #tpu.memory_space<hbm>>) target(%arg11 : memref<64x128xi32, #tpu.memory_space<vmem>>) target_semaphore(%arg18 : memref<!tpu.dma_semaphore, #tpu.memory_space<semaphore_mem>>)
        } else {
        }
      } else {
      }
      %scan3A_100 = arith.constant 0 : i32
      scf.yield %scan3A_100 : i32
    }
    %scan3A_36 = arith.constant 40 : i32
    %dma_wait3A = arith.constant 1 : i32
    %dma_wait3A_37 = arith.constant 0 : i32
    %dma_wait3A_38 = tpu.memref_slice %arg6[%dma_wait3A, %dma_wait3A_37] : memref<2x128xi32, #tpu.memory_space<vmem>> -> memref<1x128xi32, #tpu.memory_space<vmem>>
    %dma_wait3A_39 = tpu.memref_squeeze %dma_wait3A_38 : memref<1x128xi32, #tpu.memory_space<vmem>> -> memref<128xi32, #tpu.memory_space<vmem>>
    %dma_wait3A_40 = arith.constant 0 : i32
    %dma_wait3A_41 = arith.constant 0 : i32
    %dma_wait3A_42 = tpu.memref_slice %arg12[%dma_wait3A_40, %dma_wait3A_41] : memref<10112x128xf32, #tpu.memory_space<vmem_shared>> -> memref<10112x128xf32, #tpu.memory_space<vmem_shared>>
    tpu.wait_indirect_dma semaphore(%arg15 : memref<!tpu.dma_semaphore, #tpu.memory_space<semaphore_mem>>) src(%arg8 : memref<128x128xf32, #tpu.memory_space<vmem>>) dst(%dma_wait3A_42 : memref<10112x128xf32, #tpu.memory_space<vmem_shared>>)
    %dma_wait3A_43 = arith.constant 1 : i32
    %dma_wait3A_44 = arith.constant 0 : i32
    %dma_wait3A_45 = tpu.memref_slice %arg7[%dma_wait3A_43, %dma_wait3A_44] : memref<2x128xi32, #tpu.memory_space<vmem>> -> memref<1x128xi32, #tpu.memory_space<vmem>>
    %dma_wait3A_46 = tpu.memref_squeeze %dma_wait3A_45 : memref<1x128xi32, #tpu.memory_space<vmem>> -> memref<128xi32, #tpu.memory_space<vmem>>
    %dma_wait3A_47 = arith.constant 0 : i32
    %dma_wait3A_48 = arith.constant 0 : i32
    %dma_wait3A_49 = tpu.memref_slice %arg12[%dma_wait3A_47, %dma_wait3A_48] : memref<10112x128xf32, #tpu.memory_space<vmem_shared>> -> memref<10112x128xf32, #tpu.memory_space<vmem_shared>>
    tpu.wait_indirect_dma semaphore(%arg16 : memref<!tpu.dma_semaphore, #tpu.memory_space<semaphore_mem>>) src(%arg9 : memref<128x128xf32, #tpu.memory_space<vmem>>) dst(%dma_wait3A_49 : memref<10112x128xf32, #tpu.memory_space<vmem_shared>>)
    %barrier3A_50 = arith.constant 0 : index
    tpu.barrier barrier_id(%barrier3A_50)
    "tpu.region"() ({
      %run_scoped3A = tpu.sem_alloc : memref<!tpu.dma_semaphore, #tpu.memory_space<semaphore_mem>>
      %dma_start3A = arith.constant 0 : i32
      %dma_start3A_51 = tpu.memref_slice %arg5[%arg0, %mul3A_9, %dma_start3A] : memref<2x10112x128xf32, #tpu.memory_space<hbm>> -> memref<1x632x128xf32, #tpu.memory_space<hbm>>
      %dma_start3A_52 = tpu.memref_squeeze %dma_start3A_51 : memref<1x632x128xf32, #tpu.memory_space<hbm>> -> memref<632x128xf32, #tpu.memory_space<hbm>>
      %dma_start3A_53 = arith.constant 0 : i32
      %dma_start3A_54 = tpu.memref_slice %arg12[%mul3A_9, %dma_start3A_53] : memref<10112x128xf32, #tpu.memory_space<vmem_shared>> -> memref<632x128xf32, #tpu.memory_space<vmem_shared>>
      tpu.enqueue_dma source(%dma_start3A_54 : memref<632x128xf32, #tpu.memory_space<vmem_shared>>) target(%dma_start3A_52 : memref<632x128xf32, #tpu.memory_space<hbm>>) target_semaphore(%run_scoped3A : memref<!tpu.dma_semaphore, #tpu.memory_space<semaphore_mem>>)
      %dma_wait3A_55 = arith.constant 0 : i32
      %dma_wait3A_56 = tpu.memref_slice %arg5[%arg0, %mul3A_9, %dma_wait3A_55] : memref<2x10112x128xf32, #tpu.memory_space<hbm>> -> memref<1x632x128xf32, #tpu.memory_space<hbm>>
      %dma_wait3A_57 = tpu.memref_squeeze %dma_wait3A_56 : memref<1x632x128xf32, #tpu.memory_space<hbm>> -> memref<632x128xf32, #tpu.memory_space<hbm>>
      %dma_wait3A_58 = arith.constant 0 : i32
      %dma_wait3A_59 = tpu.memref_slice %arg12[%mul3A_9, %dma_wait3A_58] : memref<10112x128xf32, #tpu.memory_space<vmem_shared>> -> memref<632x128xf32, #tpu.memory_space<vmem_shared>>
      tpu.wait_dma2 semaphore(%run_scoped3A : memref<!tpu.dma_semaphore, #tpu.memory_space<semaphore_mem>>) src(%dma_wait3A_59 : memref<632x128xf32, #tpu.memory_space<vmem_shared>>) dst(%dma_wait3A_57 : memref<632x128xf32, #tpu.memory_space<hbm>>)
      tpu.yield
    }) : () -> ()
    return
  }
}

module attributes {stable_mosaic.version = 14 : i64} {
  func.func @_em_body(%arg0: i32, %arg1: memref<2000x8xf32, #tpu.memory_space<vmem>>, %arg2: memref<8x128xf32, #tpu.memory_space<vmem>>, %arg3: memref<8x128xf32, #tpu.memory_space<vmem>>, %arg4: memref<2000x128xi32, #tpu.memory_space<vmem>>) attributes {dimension_semantics = [#tpu.dimension_semantics<arbitrary>], iteration_bounds = array<i64: 80>, scalar_prefetch = 0 : i64, scratch_operands = 0 : i64, tpu.core_type = #tpu.core_type<tc>, window_params = [{transform_indices = @transform_0, window_bounds = array<i64: 2000, 8>}, {pipeline_mode = #tpu.pipeline_mode<synchronous>, transform_indices = @transform_1, window_bounds = array<i64: 8, 128>}, {pipeline_mode = #tpu.pipeline_mode<synchronous>, transform_indices = @transform_2, window_bounds = array<i64: 8, 128>}, {transform_indices = @transform_3, window_bounds = array<i64: 2000, 128>}]} {
    %get3A = arith.constant 0 : index
    %get3A_0 = arith.constant 0 : index
    %get3A_1 = vector.load %arg1[%get3A, %get3A_0] : memref<2000x8xf32, #tpu.memory_space<vmem>>, vector<2000x8xf32>
    %get3A_2 = arith.constant 0 : index
    %get3A_3 = arith.constant 0 : index
    %get3A_4 = vector.load %arg2[%get3A_2, %get3A_3] : memref<8x128xf32, #tpu.memory_space<vmem>>, vector<8x128xf32>
    %dot_general3A = arith.constant dense<0.000000e+00> : vector<2000x128xf32>
    %dot_general3A_5 = tpu.matmul %get3A_1, %get3A_4, %dot_general3A {dimension_numbers = #tpu.dot_dimension_numbers<[1], [0], [0], [1], [0, 0, 1, 1], [], []>, transpose_lhs_hint = false} : vector<2000x8xf32>, vector<8x128xf32>, vector<2000x128xf32> -> vector<2000x128xf32>
    %get3A_6 = arith.constant 0 : index
    %get3A_7 = arith.constant 0 : index
    %get3A_8 = vector.load %arg1[%get3A_6, %get3A_7] : memref<2000x8xf32, #tpu.memory_space<vmem>>, vector<2000x8xf32>
    %get3A_9 = arith.constant 0 : index
    %get3A_10 = arith.constant 0 : index
    %get3A_11 = vector.load %arg3[%get3A_9, %get3A_10] : memref<8x128xf32, #tpu.memory_space<vmem>>, vector<8x128xf32>
    %dot_general3A_12 = arith.constant dense<0.000000e+00> : vector<2000x128xf32>
    %dot_general3A_13 = tpu.matmul %get3A_8, %get3A_11, %dot_general3A_12 {dimension_numbers = #tpu.dot_dimension_numbers<[1], [0], [0], [1], [0, 0, 1, 1], [], []>, transpose_lhs_hint = false} : vector<2000x8xf32>, vector<8x128xf32>, vector<2000x128xf32> -> vector<2000x128xf32>
    %bitcast_convert_type3A = tpu.bitcast %dot_general3A_5 : vector<2000x128xf32> -> vector<2000x128xi32>
    %shift_right_logical3A = arith.constant 16 : i32
    %shift_right_logical3A_14 = vector.broadcast %shift_right_logical3A : i32 to vector<2000x128xi32>
    %shift_right_logical3A_15 = arith.shrui %bitcast_convert_type3A, %shift_right_logical3A_14 : vector<2000x128xi32>
    %bitcast_convert_type3A_16 = tpu.bitcast %dot_general3A_13 : vector<2000x128xf32> -> vector<2000x128xi32>
    %and3A = arith.constant -65536 : i32
    %and3A_17 = vector.broadcast %and3A : i32 to vector<2000x128xi32>
    %and3A_18 = arith.andi %bitcast_convert_type3A_16, %and3A_17 : vector<2000x128xi32>
    %or3A = arith.ori %shift_right_logical3A_15, %and3A_18 : vector<2000x128xi32>
    %swap3A = arith.constant 0 : index
    %swap3A_19 = arith.constant 0 : index
    %swap3A_20 = vector.load %arg4[%swap3A, %swap3A_19] : memref<2000x128xi32, #tpu.memory_space<vmem>>, vector<2000x128xi32>
    tpu.vector_store %arg4[%swap3A, %swap3A_19], %or3A {strides = array<i32>} : memref<2000x128xi32, #tpu.memory_space<vmem>>, vector<2000x128xi32>,
    return
  }
  func.func @transform_0(%arg0: i32) -> (i32, i32) {
    %c0_i32 = arith.constant 0 : i32
    %c0_i32_0 = arith.constant 0 : i32
    return %arg0, %c0_i32 : i32, i32
  }
  func.func @transform_1(%arg0: i32) -> (i32, i32) {
    %c0_i32 = arith.constant 0 : i32
    %c0_i32_0 = arith.constant 0 : i32
    %c0_i32_1 = arith.constant 0 : i32
    return %c0_i32, %c0_i32_0 : i32, i32
  }
  func.func @transform_2(%arg0: i32) -> (i32, i32) {
    %c0_i32 = arith.constant 0 : i32
    %c0_i32_0 = arith.constant 0 : i32
    %c0_i32_1 = arith.constant 0 : i32
    return %c0_i32, %c0_i32_0 : i32, i32
  }
  func.func @transform_3(%arg0: i32) -> (i32, i32) {
    %c0_i32 = arith.constant 0 : i32
    %c0_i32_0 = arith.constant 0 : i32
    return %arg0, %c0_i32 : i32, i32
  }
}

module attributes {stable_mosaic.version = 14 : i64} {
  func.func @_xm_body(%arg0: memref<10000x128xf32, #tpu.memory_space<vmem>>, %arg1: memref<128x128xf32, #tpu.memory_space<vmem>>, %arg2: memref<1x128xf32, #tpu.memory_space<vmem>>, %arg3: memref<10000x128xf32, #tpu.memory_space<vmem>>) attributes {dimension_semantics = [], scalar_prefetch = 0 : i64, scratch_operands = 0 : i64, tpu.core_type = #tpu.core_type<tc>} {
    %get3A = arith.constant 0 : index
    %get3A_0 = arith.constant 0 : index
    %get3A_1 = vector.load %arg0[%get3A, %get3A_0] : memref<10000x128xf32, #tpu.memory_space<vmem>>, vector<10000x128xf32>
    %get3A_2 = arith.constant 0 : index
    %get3A_3 = arith.constant 0 : index
    %get3A_4 = vector.load %arg1[%get3A_2, %get3A_3] : memref<128x128xf32, #tpu.memory_space<vmem>>, vector<128x128xf32>
    %dot_general3A = arith.constant dense<0.000000e+00> : vector<10000x128xf32>
    %dot_general3A_5 = tpu.matmul %get3A_1, %get3A_4, %dot_general3A {dimension_numbers = #tpu.dot_dimension_numbers<[1], [0], [0], [1], [0, 0, 1, 1], [], []>, transpose_lhs_hint = false} : vector<10000x128xf32>, vector<128x128xf32>, vector<10000x128xf32> -> vector<10000x128xf32>
    %get3A_6 = arith.constant 0 : index
    %get3A_7 = arith.constant 0 : index
    %get3A_8 = vector.load %arg2[%get3A_6, %get3A_7] : memref<1x128xf32, #tpu.memory_space<vmem>>, vector<1x128xf32>
    %add3A = vector.broadcast %get3A_8 : vector<1x128xf32> to vector<10000x128xf32>
    %add3A_9 = arith.addf %dot_general3A_5, %add3A : vector<10000x128xf32>
    %swap3A = arith.constant 0 : index
    %swap3A_10 = arith.constant 0 : index
    %swap3A_11 = vector.load %arg3[%swap3A, %swap3A_10] : memref<10000x128xf32, #tpu.memory_space<vmem>>, vector<10000x128xf32>
    tpu.vector_store %arg3[%swap3A, %swap3A_10], %add3A_9 {strides = array<i32>} : memref<10000x128xf32, #tpu.memory_space<vmem>>, vector<10000x128xf32>,
    return
  }
}

module attributes {stable_mosaic.version = 14 : i64} {
  func.func @_upd_body(%arg0: memref<10000x128xf32, #tpu.memory_space<vmem>>, %arg1: memref<10000x128xf32, #tpu.memory_space<vmem>>, %arg2: memref<10000x128xf32, #tpu.memory_space<vmem>>, %arg3: memref<10000x1xf32, #tpu.memory_space<vmem>>, %arg4: memref<10000x8xf32, #tpu.memory_space<vmem>>, %arg5: memref<128x128xf32, #tpu.memory_space<vmem>>, %arg6: memref<128x128xf32, #tpu.memory_space<vmem>>, %arg7: memref<1x128xf32, #tpu.memory_space<vmem>>, %arg8: memref<8x128xf32, #tpu.memory_space<vmem>>, %arg9: memref<1x128xf32, #tpu.memory_space<vmem>>, %arg10: memref<10000x128xf32, #tpu.memory_space<vmem>>) attributes {dimension_semantics = [], scalar_prefetch = 0 : i64, scratch_operands = 0 : i64, tpu.core_type = #tpu.core_type<tc>} {
    %get3A = arith.constant 0 : index
    %get3A_0 = arith.constant 0 : index
    %get3A_1 = vector.load %arg0[%get3A, %get3A_0] : memref<10000x128xf32, #tpu.memory_space<vmem>>, vector<10000x128xf32>
    %get3A_2 = arith.constant 0 : index
    %get3A_3 = arith.constant 0 : index
    %get3A_4 = vector.load %arg5[%get3A_2, %get3A_3] : memref<128x128xf32, #tpu.memory_space<vmem>>, vector<128x128xf32>
    %dot_general3A = arith.constant dense<0.000000e+00> : vector<10000x128xf32>
    %dot_general3A_5 = tpu.matmul %get3A_1, %get3A_4, %dot_general3A {dimension_numbers = #tpu.dot_dimension_numbers<[1], [0], [0], [1], [0, 0, 1, 1], [], []>, transpose_lhs_hint = false} : vector<10000x128xf32>, vector<128x128xf32>, vector<10000x128xf32> -> vector<10000x128xf32>
    %get3A_6 = arith.constant 0 : index
    %get3A_7 = arith.constant 0 : index
    %get3A_8 = vector.load %arg1[%get3A_6, %get3A_7] : memref<10000x128xf32, #tpu.memory_space<vmem>>, vector<10000x128xf32>
    %get3A_9 = arith.constant 0 : index
    %get3A_10 = arith.constant 0 : index
    %get3A_11 = vector.load %arg2[%get3A_9, %get3A_10] : memref<10000x128xf32, #tpu.memory_space<vmem>>, vector<10000x128xf32>
    %add3A = arith.addf %get3A_8, %get3A_11 : vector<10000x128xf32>
    %get3A_12 = arith.constant 0 : index
    %get3A_13 = arith.constant 0 : index
    %get3A_14 = vector.load %arg6[%get3A_12, %get3A_13] : memref<128x128xf32, #tpu.memory_space<vmem>>, vector<128x128xf32>
    %dot_general3A_15 = arith.constant dense<0.000000e+00> : vector<10000x128xf32>
    %dot_general3A_16 = tpu.matmul %add3A, %get3A_14, %dot_general3A_15 {dimension_numbers = #tpu.dot_dimension_numbers<[1], [0], [0], [1], [0, 0, 1, 1], [], []>, transpose_lhs_hint = false} : vector<10000x128xf32>, vector<128x128xf32>, vector<10000x128xf32> -> vector<10000x128xf32>
    %add3A_17 = arith.addf %dot_general3A_5, %dot_general3A_16 : vector<10000x128xf32>
    %get3A_18 = arith.constant 0 : index
    %get3A_19 = arith.constant 0 : index
    %get3A_20 = vector.load %arg3[%get3A_18, %get3A_19] : memref<10000x1xf32, #tpu.memory_space<vmem>>, vector<10000x1xf32>
    %get3A_21 = arith.constant 0 : index
    %get3A_22 = arith.constant 0 : index
    %get3A_23 = vector.load %arg7[%get3A_21, %get3A_22] : memref<1x128xf32, #tpu.memory_space<vmem>>, vector<1x128xf32>
    %mul3A = vector.broadcast %get3A_20 : vector<10000x1xf32> to vector<10000x128xf32>
    %mul3A_24 = vector.broadcast %get3A_23 : vector<1x128xf32> to vector<10000x128xf32>
    %mul3A_25 = arith.mulf %mul3A, %mul3A_24 : vector<10000x128xf32>
    %add3A_26 = arith.addf %add3A_17, %mul3A_25 : vector<10000x128xf32>
    %get3A_27 = arith.constant 0 : index
    %get3A_28 = arith.constant 0 : index
    %get3A_29 = vector.load %arg4[%get3A_27, %get3A_28] : memref<10000x8xf32, #tpu.memory_space<vmem>>, vector<10000x8xf32>
    %get3A_30 = arith.constant 0 : index
    %get3A_31 = arith.constant 0 : index
    %get3A_32 = vector.load %arg8[%get3A_30, %get3A_31] : memref<8x128xf32, #tpu.memory_space<vmem>>, vector<8x128xf32>
    %dot_general3A_33 = arith.constant dense<0.000000e+00> : vector<10000x128xf32>
    %dot_general3A_34 = tpu.matmul %get3A_29, %get3A_32, %dot_general3A_33 {dimension_numbers = #tpu.dot_dimension_numbers<[1], [0], [0], [1], [0, 0, 1, 1], [], []>, transpose_lhs_hint = false} : vector<10000x8xf32>, vector<8x128xf32>, vector<10000x128xf32> -> vector<10000x128xf32>
    %add3A_35 = arith.addf %add3A_26, %dot_general3A_34 : vector<10000x128xf32>
    %get3A_36 = arith.constant 0 : index
    %get3A_37 = arith.constant 0 : index
    %get3A_38 = vector.load %arg9[%get3A_36, %get3A_37] : memref<1x128xf32, #tpu.memory_space<vmem>>, vector<1x128xf32>
    %add3A_39 = vector.broadcast %get3A_38 : vector<1x128xf32> to vector<10000x128xf32>
    %add3A_40 = arith.addf %add3A_35, %add3A_39 : vector<10000x128xf32>
    %max3A = arith.constant 0.000000e+00 : f32
    %max3A_41 = vector.broadcast %max3A : f32 to vector<10000x128xf32>
    %max3A_42 = arith.maximumf %add3A_40, %max3A_41 : vector<10000x128xf32>
    %swap3A = arith.constant 0 : index
    %swap3A_43 = arith.constant 0 : index
    %swap3A_44 = vector.load %arg10[%swap3A, %swap3A_43] : memref<10000x128xf32, #tpu.memory_space<vmem>>, vector<10000x128xf32>
    tpu.vector_store %arg10[%swap3A, %swap3A_43], %max3A_42 {strides = array<i32>} : memref<10000x128xf32, #tpu.memory_space<vmem>>, vector<10000x128xf32>,
    return
  }
}

</mosaic_0001>

<sc_bundles>
// kernel: kernel.6.cloned.1.call-start
scs
__scs_entry_jumppad:
0x0: {  	(pc) =	sbr.rel $0x88, $3  }
0x1: {  	(tag) =	ssettag $0x0;
	lr =	simm.s32 $0x1  }
0x2: {  	[smem:$0x3F98] =	sst lr;
	_ =	strace $0xD0000000  }
0x3: {  	_ = 	snop  }
0x4: {  	_ = 	snop  }
0x5: {  	_ = 	snop  }
0x6: {  	_ = 	snop  }
0x7: {  	_ = 	snop  }
__scs_overlays_trampoline_lowered:
0x8: {  	[smem:$0x3FA7] =	sst s0  }
0x9: {  	[smem:$0x3FA8] =	sst s1  }
0xa: {  	[smem:$0x3FA9] =	sst s2  }
0xb: {  	[smem:$0x3FAA] =	sst s3  }
0xc: {  	[smem:$0x3FAB] =	sst s4  }
0xd: {  	[smem:$0x3FAC] =	sst s5  }
0xe: {  	[smem:$0x3FAD] =	sst s6  }
0xf: {  	[smem:$0x3FAE] =	sst s7  }
0x10: {  	[smem:$0x3FAF] =	sst s8  }
0x11: {  	[smem:$0x3FB0] =	sst s9;
	s0 =	simm.s32 @!p0 $0x0  }
0x12: {  	s1 =	sld [smem:$0x3F96];
	s0 =	simm.s32 @p0 $0x1  }
0x13: {  	[smem:$0x3FB1] =	sst s0;
	s0 =	simm.s32 @!p1 $0x0  }
0x14: {  	s2 =	sld [smem:$0x3F95];
	s0 =	simm.s32 @p1 $0x1  }
0x15: {  	[smem:$0x3FB2] =	sst s0;
	s0 =	simm.s32 @!p2 $0x0  }
0x16: {  	s3 =	sld [smem:$0x3FDB];
	s0 =	simm.s32 @p2 $0x1  }
0x17: {  	s4 =	simm.s32 $0x1BF5;
	[smem:$0x3FB4] =	sst s0  }
0x18: {  	s0 =	sld [smem:$0x3F97];
	_ =	swait.ge [sflag:s4], $0x0  }
0x19: {  	s7 =	sld [smem:$0x3F98]  }
0x1a: {  	s8 =	sadd.s32 $0xFFFFE003, lr  }
0x1b: {  	s9 =	sadd.s32 $0xFFFFFEF7, lr;
	s5 =	simm.s32 $0xFFFFFFFF;
	p2 =	slt.u32 s8, $0xFFFFF086  }
0x1c: {  	p1 =	slt.u32 s9, $0xF7A;
	s5 =	simm.s32 @!p2 $0x0  }
0x1d: {  	s5 =	simm.s32 @p1 $0x1;
	p0 =	seq.s32 s7, s2  }
0x1e: {  	s7 =	smul.u32 @!p0 $0xF7A, s2;
	p2 =	seq.s32 @!p0 s5, $0x0  }
0x1f: {  	s9 =	smul.u32 $0xF7A, s1;
	s8 =	simm.s32 @!p0 $0x1BF5;
	p2 =	por !p2, p0  }
0x20: {  	[sflag:s8] =	ssyncset.s32 @!p0 $0xFFFFF086;
	s6 =	sadd.s32 @!p0 s3, s7;
	s7 =	simm.s32 @!p0 $0x108  }
0x21: {  	s3 =	sadd.s32 s3, s9;
	s6 =	sadd.s32 @!p0 $0x88, s6;
	s7 =	simm.s32 @p2 $0x1082  }
0x22: {  	[simem:s7], [sflag:s8] =	dma.local @!p0 [hbm:s6], $0xF7A  }
0x23: {  	s9 =	sor.u32 $0xD0000000, s2;
	s6 =	simm.s32 $0x108;
	_ =	swait.ge @!p0 [sflag:s8], $0x0  }
0x24: {  	s3 =	sadd.s32 $0x88, s3;
	s6 =	simm.s32 @!p1 $0x1082;
	[sflag:s4] =	ssyncset.s32 $0xFFFFF086  }
0x25: {  	[simem:s6], [sflag:s4] =	dma.local [hbm:s3], $0xF7A  }
0x26: {  	[smem:$0x3F98] =	sst s1;
	(tag) =	ssettag s2;
	_ =	strace s9  }
0x27: {  	s1 =	sld [smem:$0x3FA8]  }
0x28: {  	s2 =	sld [smem:$0x3FA9]  }
0x29: {  	s4 =	sld [smem:$0x3FAB]  }
0x2a: {  	p0 =	seq.s32 s5, $0x0;
	s5 =	sld [smem:$0x3FAC]  }
0x2b: {  	s6 =	sld [smem:$0x3FAD]  }
0x2c: {  	s7 =	sld [smem:$0x3FAE]  }
0x2d: {  	s3 =	simm.s32 $0x108;
	s8 =	sld [smem:$0x3FAF]  }
0x2e: {  	s3 =	simm.s32 @!p0 $0x1082;
	s9 =	sld [smem:$0x3FB0]  }
0x2f: {  	lr =	sadd.s32 s0, s3;
	s0 =	sld [smem:$0x3FA7]  }
0x30: {  	s3 =	sld [smem:$0x3FAA]  }
0x31: {  	[smem:$0x3FB3] =	sst s10  }
0x32: {  	s10 =	sld [smem:$0x3FB1];
	_ =	sdelay $0x3  }
0x33: {  	p0 =	seq.s32 s10, $0x1;
	s10 =	sld [smem:$0x3FB3];
	_ =	sdelay $0x3  }
0x34: {  	[smem:$0x3FB3] =	sst s10  }
0x35: {  	s10 =	sld [smem:$0x3FB2];
	_ =	sdelay $0x3  }
0x36: {  	p1 =	seq.s32 s10, $0x1;
	s10 =	sld [smem:$0x3FB3];
	_ =	sdelay $0x3  }
0x37: {  	[smem:$0x3FB3] =	sst s10  }
0x38: {  	s10 =	sld [smem:$0x3FB4]  }
0x39: {  	_ = 	snop;
	(pc) =	sbr.ind lr, $3  }
0x3a: {  	_ = 	snop  }
0x3b: {  	_ = 	snop  }
0x3c: {  	p2 =	seq.s32 s10, $0x1;
	s10 =	sld [smem:$0x3FB3]  }
0x3d: {  	_ =	shalt  }
0x3e: {  	_ =	shalt  }
0x3f: {  	_ =	shalt  }
0x40: {  	_ =	shalt  }
0x41: {  	_ =	shalt  }
0x42: {  	_ =	shalt  }
0x43: {  	_ =	shalt  }
0x44: {  	_ =	shalt  }
0x45: {  	_ =	shalt  }
0x46: {  	_ =	shalt  }
0x47: {  	_ =	shalt  }
0x48: {  	_ =	shalt  }
0x49: {  	_ =	shalt  }
0x4a: {  	_ =	shalt  }
0x4b: {  	_ =	shalt  }
0x4c: {  	_ =	shalt  }
0x4d: {  	_ =	shalt  }
0x4e: {  	_ =	shalt  }
0x4f: {  	_ =	shalt  }
0x50: {  	_ =	shalt  }
0x51: {  	_ =	shalt  }
0x52: {  	_ =	shalt  }
0x53: {  	_ =	shalt  }
0x54: {  	_ =	shalt  }
0x55: {  	_ =	shalt  }
0x56: {  	_ =	shalt  }
0x57: {  	_ =	shalt  }
0x58: {  	_ =	shalt  }
0x59: {  	_ =	shalt  }
0x5a: {  	_ =	shalt  }
0x5b: {  	_ =	shalt  }
0x5c: {  	_ =	shalt  }
0x5d: {  	_ =	shalt  }
0x5e: {  	_ =	shalt  }
0x5f: {  	_ =	shalt  }
0x60: {  	_ =	shalt  }
0x61: {  	_ =	shalt  }
0x62: {  	_ =	shalt  }
0x63: {  	_ =	shalt  }
0x64: {  	_ =	shalt  }
0x65: {  	_ =	shalt  }
0x66: {  	_ =	shalt  }
0x67: {  	_ =	shalt  }
0x68: {  	_ =	shalt  }
0x69: {  	_ =	shalt  }
0x6a: {  	_ =	shalt  }
0x6b: {  	_ =	shalt  }
0x6c: {  	_ =	shalt  }
0x6d: {  	_ =	shalt  }
0x6e: {  	_ =	shalt  }
0x6f: {  	_ =	shalt  }
0x70: {  	_ =	shalt  }
0x71: {  	_ =	shalt  }
0x72: {  	_ =	shalt  }
0x73: {  	_ =	shalt  }
0x74: {  	_ =	shalt  }
0x75: {  	_ =	shalt  }
0x76: {  	_ =	shalt  }
0x77: {  	_ =	shalt  }
0x78: {  	_ =	shalt  }
0x79: {  	_ =	shalt  }
0x7a: {  	_ =	shalt  }
0x7b: {  	_ =	shalt  }
0x7c: {  	_ =	shalt  }
0x7d: {  	_ =	shalt  }
0x7e: {  	_ =	shalt  }
0x7f: {  	_ =	shalt  }
0x80: {  	_ =	shalt  }
0x81: {  	_ =	shalt  }
0x82: {  	_ =	shalt  }
0x83: {  	_ =	shalt  }
0x84: {  	_ =	shalt  }
0x85: {  	_ =	shalt  }
0x86: {  	_ =	shalt  }
0x87: {  	_ =	shalt  }
.Lfunc_end0:
.L_simem_size_0:
called_computation_lowered:
.L_overlay_start_0:
0x88: {  	s2 =	sld [smem:$0x3FD9]  }
0x89: {  	s3 =	sld [smem:$0x3FFE];
	_ =	sdelay $0x1  }
0x8a: {  	s1 =	srdreg.scid  }
0x8b: {  	s0 =	sand.u32 $0x1, s1  }
0x8c: {  	s17 =	sshll.u32 s0, $0xA;
	s2 =	sadd.s32 s3, s2  }
0x8d: {  	s2 =	sadd.s32 s2, s17  }
0x8e: {  	[smem:$0x3FBF] =	sst s2  }
0x8f: {  	_ = 	snop  }
0x90: {  	s2 =	sld [smem:$0x3FC1]  }
0x91: {  	s18 =	sld [smem:$0x3FD0];
	(tm) =	ssettm $0x1  }
0x92: {  	s4 =	sld [smem:$0x3FFB];
	_ =	sdelay $0x3  }
0x93: {  	_ =	strace s4  }
0x94: {  	s4 =	sld [smem:$0x3FFC];
	_ =	sdelay $0x3  }
0x95: {  	_ =	strace s4  }
0x96: {  	s4 =	sld [smem:$0x3FFD];
	_ =	sdelay $0x3  }
0x97: {  	_ =	strace s4  }
0x98: {  	_ =	strace $0x8FFFFFFF  }
0x99: {  	s19 =	sld [smem:$0x3FDB];
	_ =	sdelay $0x1  }
0x9a: {  	s5 =	simm.s32 $_scs_section_size  }
0x9b: {  	s6 =	simm.s32 $_size__tile_overlayer_lowered;
	s7 =	simm.s32 $_tile_overlayer_lowered  }
0x9c: {  	s22 =	simm.s32 $0x1BFF;
	s21 =	sshll.u32 s7, $0x1;
	s4 =	sadd.s32 s5, s19  }
0x9d: {  	s8 =	simm.s32 $0x0;
	s20 =	sshll.u32 s6, $0x1;
	s6 =	sadd.s32 s21, s4  }
0x9e: {  	[timem:s8], [sflag:s22] =	dma.local [hbm:s6], s20  }
0x9f: {  	_ =	swait.ge [sflag:s22], s20  }
0xa0: {  	s5 =	ssub.s32 $0x0, s20;
	[sflag:s22] =	ssyncset.done $0x0  }
0xa1: {  	[sflag:s22] =	ssyncadd.s32 s5;
	_ =	sdelay $0x1  }
0xa2: {  	s23 =	simm.s32 $0x1B8B  }
0xa3: {  	_ =	swait.ge [sflag:s23], $0x1  }
0xa4: {  	[sflag:s23] =	ssyncset.done $0x0  }
0xa5: {  	s25 =	simm.s32 $0x1B8E;
	s24 =	sld [smem:$0x3FFE];
	[sflag:s23] =	ssyncadd.s32 $0xFFFFFFFF  }
0xa6: {  	s26 =	simm.s32 $execute0_lowered;
	[smem:$0x3FD2] =	sst s25  }
0xa7: {  	s6 =	sshll.u32 s26, $0x1;
	_ =	strace $0x80000046;
	[dreg:$0x1] =	wrdreg $0xFFFFFFFF  }
0xa8: {  	s28 =	simm.s32 $_size_execute0_lowered;
	s4 =	sadd.s32 s4, s6;
	[dreg:$0x0] =	wrdreg $0x0  }
0xa9: {  	s6 =	sshll.u32 s28, $0x1;
	[dreg:$0x2] =	wrdreg s4  }
0xaa: {  	[dreg:$0x3] =	wrdreg s6  }
0xab: {  	[dreg:$0x4] =	wrdreg $0xC0  }
0xac: {  	_ =	task [dreg:s8], $0x5FFFF  }
0xad: {  	[dreg:$0x1] =	wrdreg $0xFFFFFFFF  }
0xae: {  	[dreg:$0x0] =	wrdreg $0x60  }
0xaf: {  	[dreg:$0x2] =	wrdreg s18  }
0xb0: {  	[dreg:$0x3] =	wrdreg s24  }
0xb1: {  	[dreg:$0x4] =	wrdreg s2  }
0xb2: {  	[dreg:$0x5] =	wrdreg $0xC2000  }
0xb3: {  	[dreg:$0x6] =	wrdreg $0x9  }
0xb4: {  	_ =	task.clear_ibuf [dreg:s8], $0x7FFFF;
	_ =	strace $0x90000046  }
0xb5: {  	s29 =	simm.s32 $0x9;
	_ =	strace $0x80000048  }
0xb6: {  	_ =	swait.ge [sflag:s29], $0x1  }
0xb7: {  	[sflag:s29] =	ssyncadd.s32 $0xFFFFFFFF  }
0xb8: {  	_ =	strace $0x90000048  }
0xb9: {  	_ =	sfence  }
0xba: {  	s30 =	sld [smem:$0x0];
	_ =	sdelay $0x2  }
0xbb: {  	s31 =	sshll.u32 s1, $0xD;
	s1 =	sshrl.u32 s1, $0x2  }
0xbc: {  	s3 =	sand.u32 $0x4000, s31;
	s1 =	sadd.s32 s1, s30  }
0xbd: {  	s0 =	sor.u32 s3, s0;
	s1 =	sshll.u32 s1, $0x11  }
0xbe: {  	s0 =	sor.u32 s1, s0  }
0xbf: {  	s0 =	sadd.s32 $0x8F2B, s0  }
0xc0: {  	[sflag:s0] =	ssyncadd.remote.s32 $0x1  }
0xc1: {  	_ =	sfence.sel $0xFFFF  }
0xc2: {  	[dreg:$0x0] =	wrdreg $0xFFFFFFFF;
	(pc) =	sbr.abs _section_cstart, $3  }
0xc3: {  	[dreg:$0x1] =	wrdreg $0xFFFFFFFF  }
0xc4: {  	_ =	task.clear_ibuf [dreg:s8], $0x2FFFF;
	_ =	strace $0x9FFFFFFF  }
0xc5: {  	(tm) =	ssettm $0x7FFFFFFF  }
tec
execute0_lowered:
.L_overlay_start_1:
0x0: {  	(tag) =	ssettag $0x1  }
0x1: {  	s1 =	rddreg [dreg:$0x0]  }
0x2: {  	s0 =	rddreg [dreg:$0x1]  }
0x3: {  	s3 =	rddreg [dreg:$0x2]  }
0x4: {  	s4 =	rddreg [dreg:$0x3];
	s2 =	srdreg.scid  }
0x5: {  	s10 =	stileid.u32;
	s5 =	simm.s32 $0x0;
	s18 =	simm.s32 $0x200  }
0x6: {  	s19 =	simm.s32 $0x7;
	s20 =	simm.s32 $0x8200;
	s28 =	simm.s32 $0x180  }
0x7: {  	s29 =	simm.s32 $0x4200;
	s30 =	simm.s32 $0x3;
	s31 =	simm.s32 $0x4  }
0x8: {  	s2 =	sand.u32 $0x1, s2;
	s6 =	sshll.u32 s10, $0x1;
	s8 =	smul.u32 $0x13C00, s10  }
0x9: {  	[smem:$0x7FF] =	sst s5;
	s10 =	smul.u32 $0x4F000, s10;
	s14 =	sadd.s32 $0x11A00, s0  }
0xa: {  	s15 =	sadd.s32 $0x19A00, s0;
	s7 =	smul.u32 $0x13C000, s2;
	s6 =	sor.u32 s2, s6  }
0xb: {  	_ =	strace $0x80000047;
	s2 =	ssub.s32 $0x2, s2;
	s9 =	sshll.u32 s6, $0xA  }
0xc: {  	s22 =	sshrl.u32 s2, $0x1;
	s10 =	sshrl.u32 s10, $0x2;
	s7 =	sadd.s32 s8, s7  }
0xd: {  	s9 =	sadd.s32 s9, s0;
	s2 =	ssub.s32 s2, s22;
	s7 =	sshrl.u32 s7, $0x3  }
0xe: {  	s22 =	simm.s32 $0x1;
	s11 =	sadd.s32 s7, s0;
	s7 =	sadd.s32 s10, s4  }
0xf: {  	s12 =	sadd.s32 $0x1A00, s9;
	s13 =	sadd.s32 $0x9A00, s9;
	s23 =	sadd.s32 $0x4000, s7  }
.Ltmp0:
0x10: {  	s24 =	sadd.s32 $0x8000, s7;
	[dreg:$0x5] =	wrdreg s23;
	(pc) =	sbr.rel .LBB2_1-.Ltmp0, $4  }
0x11: {  	s17 =	smax.u32 s2, $0x1;
	s25 =	sadd.s32 $0xC000, s7;
	[dreg:$0x6] =	wrdreg s24  }
0x12: {  	s0 =	simm.s32 $0x0;
	s26 =	sadd.s32 $0x10000, s7;
	[dreg:$0x7] =	wrdreg s25  }
0x13: {  	s16 =	sadd.s32 $0x272A00, s11;
	[dreg:$0x8] =	wrdreg s26;
	s23 =	simm.s32 $0x5  }
0x14: {  	v0 =	vimm.f32 $0.0e+00;
	s24 =	simm.s32 $0x80;
	s25 =	simm.s32 $0x2;
	s26 =	simm.s32 $0x6  }
.LBB2_14:
0x15: {  	_ =	swait.ge [sflag:s30], $0x4000  }
0x16: {  	[sflag:s30] =	ssyncset.done $0x0  }
0x17: {  	[sflag:s30] =	ssyncadd.s32 $0xFFFFC000  }
0x18: {  	s2 =	stileid.u32;
	_ =	swait.ge [sflag:s31], $0x4000  }
0x19: {  	s8 =	sshrl.u32 s7, $0x3;
	s0 =	sadd.s32 $0x1, s0;
	[sflag:s31] =	ssyncset.done $0x0  }
0x1a: {  	s2 =	sshll.u32 s2, $0x6;
	p0 =	sne.s32 s0, s17;
	[sflag:s31] =	ssyncadd.s32 $0xFFFFC000  }
.Ltmp1:
0x1b: {  	s2 =	sor.u32 $0x1C07, s2;
	[bflag:$0x0] =	sbarrier.arrive $0xFFFF;
	(pc) =	sbr.rel @!p0 .LBB2_15-.Ltmp1, $4  }
0x1c: {  	[hbm:s16], [sflag:s2] =	dma.local [spmem:s8], $0x2780  }
0x1d: {  	_ =	swait.ge [sflag:s19], $0x2780  }
0x1e: {  	[sflag:s19] =	ssyncset.done $0x0  }
0x1f: {  	[sflag:s19] =	ssyncadd.s32 $0xFFFFD880  }
.LBB2_1:
0x20: {  	s2 =	sand.u32 $0xFE00, s5  }
0x21: {  	s8 =	sand.u32 $0x70, s5;
	s9 =	sshrl.u32 s2, $0x2  }
0x22: {  	s2 =	simm.s32 $0x40;
	s9 =	sor.u32 s8, s9;
	s8 =	simm.s32 $0x0  }
.LBB2_2:
0x23: {  	p0 =	sne.s32 s2, $0xFFC0  }
0x24: {  	[tilespmem:s9+$0x200] =	vst v0;
	s8 =	sadd.s32 $0x10, s8;
	s9 =	smov.u32 s2;
	s2 =	sadd.s32 $0x40, s2  }
.Ltmp2:
0x25: {  	(pc) =	sbr.rel @p0 .LBB2_2-.Ltmp2, $4  }
0x26: {  	_ = 	snop  }
0x27: {  	s9 =	sand.u32 $0xFE00, s9  }
0x28: {  	s10 =	sand.u32 $0x70, s8;
	s9 =	sshrl.u32 s9, $0x2  }
0x29: {  	s9 =	sor.u32 s10, s9  }
0x2a: {  	[tilespmem:s9+$0x200] =	vst v0  }
0x2b: {  	[spmem:s7] =	stream.linear.scatter [tilespmem:s18], [sflag:$0x7], $0x4000, $0x38;
	[tilespmem:$0x1FE00] =	vst v63  }
0x2c: {  	_ =	swait.ge [sflag:s19], $0x4000  }
0x2d: {  	[sflag:s19] =	ssyncset.done $0x0  }
0x2e: {  	s2 =	rddreg [dreg:$0x5];
	[sflag:s19] =	ssyncadd.s32 $0xFFFFC000  }
0x2f: {  	[spmem:s2] =	stream.linear.scatter [tilespmem:s18], [sflag:$0x7], $0x4000, $0x38;
	[tilespmem:$0x1FE00] =	vst v63  }
0x30: {  	_ =	swait.ge [sflag:s19], $0x4000  }
0x31: {  	[sflag:s19] =	ssyncset.done $0x0  }
0x32: {  	s8 =	rddreg [dreg:$0x6];
	[sflag:s19] =	ssyncadd.s32 $0xFFFFC000  }
0x33: {  	[spmem:s8] =	stream.linear.scatter [tilespmem:s18], [sflag:$0x7], $0x4000, $0x38;
	[tilespmem:$0x1FE00] =	vst v63  }
0x34: {  	_ =	swait.ge [sflag:s19], $0x4000  }
0x35: {  	[sflag:s19] =	ssyncset.done $0x0  }
0x36: {  	s9 =	rddreg [dreg:$0x7];
	[sflag:s19] =	ssyncadd.s32 $0xFFFFC000  }
0x37: {  	[spmem:s9] =	stream.linear.scatter [tilespmem:s18], [sflag:$0x7], $0x4000, $0x38;
	[tilespmem:$0x1FE00] =	vst v63  }
0x38: {  	_ =	swait.ge [sflag:s19], $0x4000  }
0x39: {  	[sflag:s19] =	ssyncset.done $0x0  }
0x3a: {  	s10 =	rddreg [dreg:$0x8];
	[sflag:s19] =	ssyncadd.s32 $0xFFFFC000  }
0x3b: {  	[spmem:s10] =	stream.linear.scatter [tilespmem:s18], [sflag:$0x7], $0x3C00, $0x38;
	[tilespmem:$0x1FE00] =	vst v63  }
0x3c: {  	_ =	swait.ge [sflag:s19], $0x3C00  }
0x3d: {  	[sflag:s19] =	ssyncset.done $0x0  }
.Ltmp3:
0x3e: {  	[sflag:s19] =	ssyncadd.s32 $0xFFFFC400;
	(pc) =	sbr.rel .LBB2_4-.Ltmp3, $4  }
0x3f: {  	s21 =	simm.s32 $0x0;
	[bflag:$0x0] =	sbarrier.arrive $0xFFFF  }
0x40: {  	[tilespmem:s20], [sflag:$0x5] =	stream.linear.gather [hbm4b:s12+s21], $0x2000, $0x38;
	[tilespmem:$0x1FE00] =	vst v63  }
0x41: {  	s11 =	simm.s32 $0xA200  }
0x42: {  	[tilespmem:s11], [sflag:$0x6] =	stream.linear.gather [hbm4b:s13+s21], $0x2000, $0x38;
	[tilespmem:$0x1FE00] =	vst v63  }
.LBB2_13:
0x43: {  	s21 =	sadd.s32 $0x1, s21  }
0x44: {  	p0 =	sne.s32 s21, $0x28  }
.Ltmp4:
0x45: {  	_ = 	snop;
	(pc) =	sbr.rel @!p0 .LBB2_14-.Ltmp4, $1  }
0x46: {  	_ =	sdelay $0x3  }
.LBB2_4:
0x47: {  	s2 =	sshll.u32 s21, $0x6  }
0x48: {  	s2 =	sor.u32 s6, s2  }
0x49: {  	p1 =	sgt.u32 s2, $0x9C3  }
0x4a: {  	p0 =	seq.s32 @!p1 s21, $0x0  }
0x4b: {  	p0 =	por p0, p1  }
0x4c: {  	s8 =	simm.s32 @!p0 $0x3  }
0x4d: {  	_ =	swait.ge @!p0 [sflag:s8], $0x4000  }
0x4e: {  	s9 =	sshll.u32 @!p1 s2, $0x5;
	[sflag:s8] =	ssyncset.done @!p0 $0x0  }
0x4f: {  	[sflag:s8] =	ssyncadd.s32 @!p0 $0xFFFFC000;
	s8 =	sadd.s32 @!p1 s3, s9;
	s9 =	simm.s32 @!p1 $0x0  }
0x50: {  	[tilespmem:s9], [sflag:$0x7] =	stream.linear.gather @!p1 [hbm4b:s8+s9], $0x100, $0x38;
	[tilespmem:$0x1FE00] =	vst v63  }
0x51: {  	s8 =	simm.s32 @!p1 $0x7  }
0x52: {  	_ =	swait.ge @!p1 [sflag:s8], $0x100  }
0x53: {  	[sflag:s8] =	ssyncset.done @!p1 $0x0  }
0x54: {  	s10 =	simm.s32 @!p1 $0x200;
	[sflag:s8] =	ssyncadd.s32 @!p1 $0xFFFFFF00;
	s8 =	simm.s32 @!p1 $0x80  }
0x55: {  	[tilespmem:s10], [sflag:$0x1] =	stream.indirect.gather @!p1 [hbm4b:s1+s8], $0x80, s9, s8, $0xb8;
	[tilespmem:$0x1FE00] =	vst v63  }
0x56: {  	s8 =	sor.u32 $0x20, s2  }
0x57: {  	p0 =	sgt.u32 s8, $0x9C3  }
0x58: {  	p2 =	seq.s32 @!p0 s21, $0x0  }
0x59: {  	p2 =	por p2, p0  }
0x5a: {  	s9 =	simm.s32 @!p2 $0x4  }
0x5b: {  	_ =	swait.ge @!p2 [sflag:s9], $0x4000  }
0x5c: {  	s8 =	sshll.u32 @!p0 s8, $0x5;
	s10 =	simm.s32 @!p0 $0x100;
	[sflag:s9] =	ssyncset.done @!p2 $0x0  }
0x5d: {  	s8 =	sadd.s32 @!p0 s3, s8;
	[sflag:s9] =	ssyncadd.s32 @!p2 $0xFFFFC000;
	s9 =	simm.s32 @!p0 $0x0  }
0x5e: {  	[tilespmem:s10], [sflag:$0x7] =	stream.linear.gather @!p0 [hbm4b:s8+s9], $0x100, $0x38;
	[tilespmem:$0x1FE00] =	vst v63  }
.Ltmp5:
0x5f: {  	s8 =	simm.s32 @!p0 $0x7;
	(pc) =	sbr.rel @p1 .LBB2_13-.Ltmp5, $4  }
0x60: {  	_ =	swait.ge @!p0 [sflag:s8], $0x100  }
0x61: {  	[sflag:s8] =	ssyncset.done @!p0 $0x0  }
0x62: {  	s9 =	simm.s32 @!p0 $0x4200;
	[sflag:s8] =	ssyncadd.s32 @!p0 $0xFFFFFF00;
	s8 =	simm.s32 @!p0 $0x80  }
0x63: {  	[tilespmem:s9], [sflag:$0x2] =	stream.indirect.gather @!p0 [hbm4b:s1+s8], $0x80, s10, s8, $0xb8;
	[tilespmem:$0x1FE00] =	vst v63  }
0x64: {  	_ =	swait.ge [sflag:s22], $0x4000  }
0x65: {  	[sflag:s22] =	ssyncset.done $0x0  }
0x66: {  	[sflag:s22] =	ssyncadd.s32 $0xFFFFC000  }
0x67: {  	_ =	swait.ge [sflag:s23], $0x2000  }
0x68: {  	[sflag:s23] =	ssyncset.done $0x0  }
0x69: {  	s9 =	simm.s32 $0x8280;
	[sflag:s23] =	ssyncadd.s32 $0xFFFFE000  }
0x6a: {  	s8 =	simm.s32 $0x300;
	v1 =	vld [tilespmem:s9+$0x70]  }
0x6b: {  	v2 =	vld [tilespmem:s8+$0xF0]  }
0x6c: {  	v3 =	vld [tilespmem:s9+$0xFFFFFF90]  }
0x6d: {  	v4 =	vld [tilespmem:s9+$0xFFFFFFA0]  }
0x6e: {  	v5 =	vld [tilespmem:s9+$0xFFFFFFB0]  }
0x6f: {  	v6 =	vld [tilespmem:s9+$0xFFFFFFC0]  }
0x70: {  	v7 =	vld [tilespmem:s9+$0xFFFFFFD0]  }
0x71: {  	v8 =	vld [tilespmem:s9+$0xFFFFFFE0]  }
0x72: {  	v11 =	vld [tilespmem:s9+$0xFFFFFFF0]  }
0x73: {  	v9 =	vld [tilespmem:s9+$0xFFFFFF80]  }
0x74: {  	v10 =	vld [tilespmem:s8+$0xFFFFFF00]  }
0x75: {  	v12 =	vld [tilespmem:s8+$0xFFFFFF10]  }
0x76: {  	v13 =	vld [tilespmem:s8+$0xFFFFFF20]  }
0x77: {  	v14 =	vld [tilespmem:s8+$0xFFFFFF30]  }
0x78: {  	v15 =	vld [tilespmem:s8+$0xFFFFFF40]  }
0x79: {  	v17 =	vld [tilespmem:s8+$0xFFFFFF50]  }
0x7a: {  	v50 =	vld [tilespmem:s8+$0xFFFFFF60]  }
0x7b: {  	v18 =	vld [tilespmem:s8+$0xFFFFFF70]  }
0x7c: {  	v19 =	vld [tilespmem:s9+$0x0]  }
0x7d: {  	v51 =	vld [tilespmem:s9+$0x10]  }
0x7e: {  	v52 =	vld [tilespmem:s9+$0x30]  }
0x7f: {  	v53 =	vld [tilespmem:s9+$0x40]  }
0x80: {  	v54 =	vld [tilespmem:s8+$0xFFFFFFD0];
	v16 =	vshll.u32 v9, $0x10;
	v9 =	vand.u32 $0xFFFF0000, v9;
	v20 =	vshll.u32 v3, $0x10  }
0x81: {  	v55 =	vld [tilespmem:s8+$0xFFFFFFE0];
	v3 =	vand.u32 $0xFFFF0000, v3;
	v21 =	vshll.u32 v4, $0x10;
	v10 =	vadd.f32 v16, v10  }
0x82: {  	v23 =	vld [tilespmem:s9+$0x60];
	v4 =	vand.u32 $0xFFFF0000, v4;
	v22 =	vshll.u32 v5, $0x10;
	v3 =	vadd.f32 v3, v14  }
0x83: {  	v24 =	vld [tilespmem:s8+$0x10];
	v25 =	vshll.u32 v19, $0x10;
	v9 =	vadd.f32 v9, v12;
	v10 =	vmax.f32 v10, $0.0e+00  }
0x84: {  	v5 =	vand.u32 $0xFFFF0000, v5;
	v12 =	vld [tilespmem:s8+$0xFFFFFF80];
	v3 =	vmax.f32 v3, $0.0e+00;
	[tilespmem:s8+$0xFFFFFF00] =	vst v10;
	v10 =	vadd.f32 v20, v13  }
0x85: {  	v19 =	vand.u32 $0xFFFF0000, v19;
	v9 =	vmax.f32 v9, $0.0e+00;
	v13 =	vld [tilespmem:s8+$0xFFFFFF90];
	[tilespmem:s8+$0xFFFFFF30] =	vst v3;
	v3 =	vadd.f32 v4, v17  }
0x86: {  	v26 =	vld [tilespmem:s8+$0x20];
	v27 =	vshll.u32 v6, $0x10;
	v16 =	vadd.f32 v22, v50;
	[tilespmem:s8+$0xFFFFFF10] =	vst v9;
	v9 =	vmax.f32 v10, $0.0e+00  }
0x87: {  	v28 =	vshll.u32 v51, $0x10;
	v10 =	vld [tilespmem:s8+$0xFFFFFFA0];
	v3 =	vmax.f32 v3, $0.0e+00;
	[tilespmem:s8+$0xFFFFFF20] =	vst v9;
	v9 =	vadd.f32 v21, v15  }
0x88: {  	v56 =	vld [tilespmem:s8+$0x30];
	v6 =	vand.u32 $0xFFFF0000, v6;
	v5 =	vadd.f32 v5, v18;
	[tilespmem:s8+$0xFFFFFF50] =	vst v3;
	v3 =	vmax.f32 v16, $0.0e+00  }
0x89: {  	v29 =	vshll.u32 v7, $0x10;
	v12 =	vadd.f32 v27, v12;
	[tilespmem:s8+$0xFFFFFF60] =	vst v3;
	v3 =	vld [tilespmem:s8+$0x0];
	v4 =	vmax.f32 v9, $0.0e+00  }
0x8a: {  	v5 =	vmax.f32 v5, $0.0e+00;
	v15 =	vld [tilespmem:s8+$0xFFFFFFB0];
	v6 =	vadd.f32 v6, v13;
	[tilespmem:s8+$0xFFFFFF40] =	vst v4;
	v4 =	vand.u32 $0xFFFF0000, v1  }
0x8b: {  	v58 =	vld [tilespmem:s8+$0x60];
	v7 =	vand.u32 $0xFFFF0000, v7;
	[tilespmem:s8+$0xFFFFFF70] =	vst v5;
	v12 =	vmax.f32 v12, $0.0e+00;
	v2 =	vadd.f32 v4, v2  }
0x8c: {  	v60 =	vshll.u32 v52, $0x10;
	v14 =	vld [tilespmem:s9+$0x20];
	[tilespmem:s8+$0xFFFFFF80] =	vst v12;
	v10 =	vadd.f32 v29, v10;
	v6 =	vmax.f32 v6, $0.0e+00  }
0x8d: {  	v61 =	vand.u32 $0xFFFF0000, v52;
	v9 =	vld [tilespmem:s8+$0xFFFFFFC0];
	[tilespmem:s8+$0xFFFFFF90] =	vst v6;
	v6 =	vadd.f32 v19, v24;
	v2 =	vmax.f32 v2, $0.0e+00  }
0x8e: {  	v62 =	vshll.u32 v53, $0x10;
	v4 =	vld [tilespmem:s9+$0x50];
	v3 =	vadd.f32 v25, v3;
	v10 =	vmax.f32 v10, $0.0e+00;
	[tilespmem:s8+$0xF0] =	vst v2  }
0x8f: {  	v20 =	vand.u32 $0xFFFF0000, v51;
	v13 =	vld [tilespmem:s8+$0x50];
	v7 =	vadd.f32 v7, v15;
	[tilespmem:s8+$0xFFFFFFA0] =	vst v10;
	v6 =	vmax.f32 v6, $0.0e+00  }
0x90: {  	v57 =	vld [tilespmem:s8+$0x40];
	v10 =	vadd.f32 v28, v26;
	v3 =	vmax.f32 v3, $0.0e+00;
	[tilespmem:s8+$0x10] =	vst v6;
	v6 =	vand.u32 $0xFFFF0000, v8  }
0x91: {  	v59 =	vld [tilespmem:s8+$0x80];
	v7 =	vmax.f32 v7, $0.0e+00;
	[tilespmem:s8+$0x0] =	vst v3;
	v3 =	vshll.u32 v8, $0x10;
	v6 =	vadd.f32 v6, v54  }
0x92: {  	v5 =	vshll.u32 v14, $0x10;
	v12 =	vld [tilespmem:s8+$0x70];
	[tilespmem:s8+$0xFFFFFFB0] =	vst v7;
	v8 =	vmax.f32 v10, $0.0e+00;
	v3 =	vadd.f32 v3, v9  }
0x93: {  	v14 =	vand.u32 $0xFFFF0000, v14;
	v2 =	vld [tilespmem:s8+$0xFFFFFFF0];
	v7 =	vadd.f32 v20, v56;
	[tilespmem:s8+$0x20] =	vst v8;
	v6 =	vmax.f32 v6, $0.0e+00  }
0x94: {  	v3 =	vmax.f32 v3, $0.0e+00;
	[tilespmem:s8+$0xFFFFFFD0] =	vst v6;
	v6 =	vadd.f32 v14, v13;
	v13 =	vadd.f32 v60, v58  }
0x95: {  	v8 =	vshll.u32 v11, $0x10;
	[tilespmem:s8+$0xFFFFFFC0] =	vst v3;
	v3 =	vadd.f32 v5, v57;
	v5 =	vmax.f32 v7, $0.0e+00  }
0x96: {  	v1 =	vshll.u32 v1, $0x10;
	v15 =	vld [tilespmem:s8+$0x90];
	v7 =	vadd.f32 v8, v55;
	[tilespmem:s8+$0x30] =	vst v5;
	v63 =	vmax.f32 v13, $0.0e+00  }
0x97: {  	v10 =	vld [tilespmem:s8+$0xA0];
	v14 =	vadd.f32 v61, v12;
	v5 =	vand.u32 $0xFFFF0000, v11;
	v3 =	vmax.f32 v3, $0.0e+00;
	[tilespmem:s8+$0x60] =	vst v63  }
0x98: {  	v9 =	vld [tilespmem:s8+$0xB0];
	v12 =	vadd.f32 v62, v59;
	v2 =	vadd.f32 v5, v2;
	v7 =	vmax.f32 v7, $0.0e+00;
	[tilespmem:s8+$0x40] =	vst v3  }
0x99: {  	v8 =	vld [tilespmem:s8+$0xC0];
	v11 =	vand.u32 $0xFFFF0000, v53;
	v13 =	vmax.f32 v14, $0.0e+00;
	[tilespmem:s8+$0xFFFFFFE0] =	vst v7;
	v3 =	vmax.f32 v6, $0.0e+00  }
0x9a: {  	v5 =	vshll.u32 v4, $0x10;
	v4 =	vand.u32 $0xFFFF0000, v4;
	v7 =	vld [tilespmem:s8+$0xD0];
	v6 =	vmax.f32 v2, $0.0e+00;
	[tilespmem:s8+$0x50] =	vst v3  }
0x9b: {  	s10 =	simm.s32 $0x8380;
	s11 =	simm.s32 $0x300;
	s9 =	simm.s32 $0x0;
	v11 =	vadd.f32 v11, v15;
	v3 =	vshll.u32 v23, $0x10;
	v2 =	vand.u32 $0xFFFF0000, v23;
	[tilespmem:s8+$0xFFFFFFF0] =	vst v6;
	v6 =	vld [tilespmem:s8+$0xE0]  }
.LBB2_6:
0x9c: {  	v14 =	vld [tilespmem:s10+$0x70];
	s9 =	sadd.s32 $0x2, s9;
	v12 =	vmax.f32 v12, $0.0e+00;
	v5 =	vadd.f32 v5, v10;
	[tilespmem:s8+$0x70] =	vst v13;
	s11 =	sadd.s32 $0x200, s11  }
0x9d: {  	v10 =	vld [tilespmem:s11+$0xF0];
	p1 =	slt.u32 s9, $0x3E;
	v11 =	vmax.f32 v11, $0.0e+00;
	v4 =	vadd.f32 v4, v9;
	[tilespmem:s8+$0x80] =	vst v12  }
0x9e: {  	v9 =	vld [tilespmem:s10+$0xFFFFFF90];
	v5 =	vmax.f32 v5, $0.0e+00;
	v3 =	vadd.f32 v3, v8;
	[tilespmem:s8+$0x90] =	vst v11  }
0x9f: {  	v8 =	vld [tilespmem:s10+$0x0];
	v4 =	vmax.f32 v4, $0.0e+00;
	v2 =	vadd.f32 v2, v7;
	[tilespmem:s8+$0xA0] =	vst v5  }
0xa0: {  	v5 =	vld [tilespmem:s10+$0x10];
	v3 =	vmax.f32 v3, $0.0e+00;
	v6 =	vadd.f32 v1, v6;
	[tilespmem:s8+$0xB0] =	vst v4  }
0xa1: {  	v4 =	vld [tilespmem:s10+$0x20];
	v1 =	vshll.u32 v14, $0x10;
	v7 =	vand.u32 $0xFFFF0000, v14;
	v2 =	vmax.f32 v2, $0.0e+00;
	[tilespmem:s8+$0xC0] =	vst v3  }
0xa2: {  	v3 =	vld [tilespmem:s10+$0x30];
	v7 =	vadd.f32 v7, v10;
	v6 =	vmax.f32 v6, $0.0e+00;
	[tilespmem:s8+$0xD0] =	vst v2  }
0xa3: {  	v16 =	vshll.u32 v9, $0x10;
	v17 =	vand.u32 $0xFFFF0000, v9;
	v2 =	vld [tilespmem:s10+$0x40];
	[tilespmem:s8+$0xE0] =	vst v6;
	s8 =	smov.u32 s11  }
0xa4: {  	v15 =	vshll.u32 v8, $0x10;
	v14 =	vand.u32 $0xFFFF0000, v8;
	v18 =	vld [tilespmem:s10+$0x50];
	v6 =	vmax.f32 v7, $0.0e+00  }
0xa5: {  	v13 =	vshll.u32 v5, $0x10;
	v11 =	vand.u32 $0xFFFF0000, v5;
	v19 =	vld [tilespmem:s10+$0x60];
	[tilespmem:s11+$0xF0] =	vst v6  }
0xa6: {  	v20 =	vld [tilespmem:s10+$0xFFFFFFA0];
	v12 =	vshll.u32 v4, $0x10;
	v10 =	vand.u32 $0xFFFF0000, v4  }
0xa7: {  	v21 =	vld [tilespmem:s10+$0xFFFFFFB0];
	v9 =	vshll.u32 v3, $0x10;
	v8 =	vand.u32 $0xFFFF0000, v3  }
0xa8: {  	v22 =	vld [tilespmem:s10+$0xFFFFFFC0];
	v7 =	vshll.u32 v2, $0x10;
	v6 =	vand.u32 $0xFFFF0000, v2  }
0xa9: {  	v23 =	vld [tilespmem:s10+$0xFFFFFFD0];
	v5 =	vshll.u32 v18, $0x10;
	v4 =	vand.u32 $0xFFFF0000, v18  }
0xaa: {  	v18 =	vld [tilespmem:s10+$0xFFFFFFE0];
	v3 =	vshll.u32 v19, $0x10;
	v2 =	vand.u32 $0xFFFF0000, v19  }
0xab: {  	v19 =	vshll.u32 v20, $0x10;
	v20 =	vand.u32 $0xFFFF0000, v20;
	v24 =	vld [tilespmem:s10+$0xFFFFFFF0]  }
0xac: {  	v25 =	vld [tilespmem:s10+$0xFFFFFF80];
	v26 =	vshll.u32 v21, $0x10;
	v21 =	vand.u32 $0xFFFF0000, v21  }
0xad: {  	v27 =	vld [tilespmem:s11+$0xFFFFFF00];
	v28 =	vshll.u32 v22, $0x10;
	v22 =	vand.u32 $0xFFFF0000, v22  }
0xae: {  	v29 =	vld [tilespmem:s11+$0xFFFFFF10];
	v30 =	vshll.u32 v23, $0x10;
	v23 =	vand.u32 $0xFFFF0000, v23  }
0xaf: {  	v31 =	vld [tilespmem:s11+$0xFFFFFF20];
	v32 =	vshll.u32 v18, $0x10;
	v18 =	vand.u32 $0xFFFF0000, v18  }
0xb0: {  	v33 =	vld [tilespmem:s11+$0xFFFFFF30];
	v34 =	vshll.u32 v24, $0x10;
	v24 =	vand.u32 $0xFFFF0000, v24  }
0xb1: {  	v35 =	vshll.u32 v25, $0x10;
	v25 =	vand.u32 $0xFFFF0000, v25;
	v36 =	vld [tilespmem:s11+$0xFFFFFF40]  }
0xb2: {  	v27 =	vadd.f32 v35, v27;
	v35 =	vld [tilespmem:s11+$0xFFFFFF50]  }
0xb3: {  	v25 =	vadd.f32 v25, v29;
	v29 =	vld [tilespmem:s11+$0xFFFFFF60]  }
0xb4: {  	v27 =	vmax.f32 v27, $0.0e+00;
	v16 =	vadd.f32 v16, v31;
	v31 =	vld [tilespmem:s11+$0xFFFFFF70]  }
0xb5: {  	v25 =	vmax.f32 v25, $0.0e+00;
	v17 =	vadd.f32 v17, v33;
	v33 =	vld [tilespmem:s11+$0xFFFFFF80];
	[tilespmem:s11+$0xFFFFFF00] =	vst v27  }
0xb6: {  	v16 =	vmax.f32 v16, $0.0e+00;
	v19 =	vadd.f32 v19, v36;
	v27 =	vld [tilespmem:s11+$0xFFFFFF90];
	[tilespmem:s11+$0xFFFFFF10] =	vst v25  }
0xb7: {  	v17 =	vmax.f32 v17, $0.0e+00;
	v20 =	vadd.f32 v20, v35;
	v25 =	vld [tilespmem:s11+$0xFFFFFFA0];
	[tilespmem:s11+$0xFFFFFF20] =	vst v16  }
0xb8: {  	v16 =	vmax.f32 v19, $0.0e+00;
	v19 =	vadd.f32 v26, v29;
	v26 =	vld [tilespmem:s11+$0xFFFFFFB0];
	[tilespmem:s11+$0xFFFFFF30] =	vst v17  }
0xb9: {  	v17 =	vmax.f32 v20, $0.0e+00;
	v20 =	vadd.f32 v21, v31;
	v21 =	vld [tilespmem:s11+$0xFFFFFFC0];
	[tilespmem:s11+$0xFFFFFF40] =	vst v16  }
0xba: {  	v16 =	vmax.f32 v19, $0.0e+00;
	v19 =	vadd.f32 v28, v33;
	v28 =	vld [tilespmem:s11+$0xFFFFFFD0];
	[tilespmem:s11+$0xFFFFFF50] =	vst v17  }
0xbb: {  	v17 =	vmax.f32 v20, $0.0e+00;
	v20 =	vadd.f32 v22, v27;
	v22 =	vld [tilespmem:s11+$0xFFFFFFE0];
	[tilespmem:s11+$0xFFFFFF60] =	vst v16  }
0xbc: {  	v16 =	vmax.f32 v19, $0.0e+00;
	v19 =	vadd.f32 v30, v25;
	v25 =	vld [tilespmem:s11+$0xFFFFFFF0];
	[tilespmem:s11+$0xFFFFFF70] =	vst v17  }
0xbd: {  	v17 =	vmax.f32 v20, $0.0e+00;
	v20 =	vadd.f32 v23, v26;
	[tilespmem:s11+$0xFFFFFF80] =	vst v16;
	v16 =	vld [tilespmem:s11+$0x0]  }
0xbe: {  	v19 =	vmax.f32 v19, $0.0e+00;
	v21 =	vadd.f32 v32, v21;
	[tilespmem:s11+$0xFFFFFF90] =	vst v17;
	v17 =	vld [tilespmem:s11+$0x10]  }
0xbf: {  	v20 =	vmax.f32 v20, $0.0e+00;
	v18 =	vadd.f32 v18, v28;
	[tilespmem:s11+$0xFFFFFFA0] =	vst v19;
	v19 =	vld [tilespmem:s11+$0x20]  }
0xc0: {  	v21 =	vmax.f32 v21, $0.0e+00;
	v22 =	vadd.f32 v34, v22;
	[tilespmem:s11+$0xFFFFFFB0] =	vst v20;
	v20 =	vld [tilespmem:s11+$0x30]  }
0xc1: {  	v18 =	vmax.f32 v18, $0.0e+00;
	v23 =	vadd.f32 v24, v25;
	[tilespmem:s11+$0xFFFFFFC0] =	vst v21;
	v21 =	vld [tilespmem:s11+$0x40]  }
0xc2: {  	v22 =	vmax.f32 v22, $0.0e+00;
	[tilespmem:s11+$0xFFFFFFD0] =	vst v18;
	v15 =	vadd.f32 v15, v16;
	v16 =	vld [tilespmem:s11+$0x50]  }
0xc3: {  	v18 =	vmax.f32 v23, $0.0e+00;
	[tilespmem:s11+$0xFFFFFFE0] =	vst v22;
	v14 =	vadd.f32 v14, v17;
	v17 =	vld [tilespmem:s11+$0x60]  }
0xc4: {  	[tilespmem:s11+$0xFFFFFFF0] =	vst v18;
	v15 =	vmax.f32 v15, $0.0e+00;
	v13 =	vadd.f32 v13, v19;
	v18 =	vld [tilespmem:s11+$0x70]  }
0xc5: {  	v14 =	vmax.f32 v14, $0.0e+00;
	v11 =	vadd.f32 v11, v20;
	v19 =	vld [tilespmem:s11+$0x80];
	[tilespmem:s11+$0x0] =	vst v15  }
0xc6: {  	v13 =	vmax.f32 v13, $0.0e+00;
	v12 =	vadd.f32 v12, v21;
	v15 =	vld [tilespmem:s11+$0x90];
	[tilespmem:s11+$0x10] =	vst v14  }
.Ltmp6:
0xc7: {  	v11 =	vmax.f32 v11, $0.0e+00;
	v14 =	vadd.f32 v10, v16;
	v10 =	vld [tilespmem:s11+$0xA0];
	[tilespmem:s11+$0x20] =	vst v13;
	(pc) =	sbr.rel @p1 .LBB2_6-.Ltmp6, $4  }
0xc8: {  	v12 =	vmax.f32 v12, $0.0e+00;
	v13 =	vadd.f32 v9, v17;
	v9 =	vld [tilespmem:s11+$0xB0];
	[tilespmem:s11+$0x30] =	vst v11  }
0xc9: {  	v11 =	vmax.f32 v14, $0.0e+00;
	v14 =	vadd.f32 v8, v18;
	v8 =	vld [tilespmem:s11+$0xC0];
	[tilespmem:s11+$0x40] =	vst v12  }
0xca: {  	v16 =	vmax.f32 v13, $0.0e+00;
	v12 =	vadd.f32 v7, v19;
	v7 =	vld [tilespmem:s11+$0xD0];
	[tilespmem:s11+$0x50] =	vst v11  }
0xcb: {  	s10 =	sadd.s32 $0x100, s10;
	v13 =	vmax.f32 v14, $0.0e+00;
	v11 =	vadd.f32 v6, v15;
	v6 =	vld [tilespmem:s11+$0xE0];
	[tilespmem:s11+$0x60] =	vst v16  }
0xcc: {  	v12 =	vmax.f32 v12, $0.0e+00;
	v5 =	vadd.f32 v5, v10;
	[tilespmem:s8+$0x70] =	vst v13  }
0xcd: {  	v63 =	vmax.f32 v11, $0.0e+00;
	v4 =	vadd.f32 v4, v9;
	[tilespmem:s8+$0x80] =	vst v12  }
0xce: {  	v5 =	vmax.f32 v5, $0.0e+00;
	v3 =	vadd.f32 v3, v8;
	[tilespmem:s8+$0x90] =	vst v63  }
0xcf: {  	p1 =	sgt.u32 s2, $0x983;
	v4 =	vmax.f32 v4, $0.0e+00;
	v2 =	vadd.f32 v2, v7;
	[tilespmem:s8+$0xA0] =	vst v5  }
.Ltmp7:
0xd0: {  	v3 =	vmax.f32 v3, $0.0e+00;
	v1 =	vadd.f32 v1, v6;
	[tilespmem:s8+$0xB0] =	vst v4;
	(pc) =	sbr.rel @p1 .LBB2_9-.Ltmp7, $4  }
0xd1: {  	v2 =	vmax.f32 v2, $0.0e+00;
	[tilespmem:s8+$0xC0] =	vst v3  }
0xd2: {  	v1 =	vmax.f32 v1, $0.0e+00;
	[tilespmem:s8+$0xD0] =	vst v2  }
0xd3: {  	[tilespmem:s8+$0xE0] =	vst v1  }
0xd4: {  	[spmem:s4] =	stream.indirect.scatter.add.f32 [tilespmem:s18], [sflag:$0x3], $0x80, s24, s24, $0xb8;
	[tilespmem:$0x1FE00] =	vst v63  }
.Ltmp8:
0xd5: {  	(pc) =	sbr.rel .LBB2_10-.Ltmp8, $4  }
0xd6: {  	_ = 	snop  }
0xd7: {  	s8 =	sshll.u32 s2, $0xA  }
0xd8: {  	s8 =	sadd.s32 s8, s14  }
0xd9: {  	[tilespmem:s20], [sflag:$0x5] =	stream.linear.gather [hbm4b:s8+s5], $0x2000, $0x38;
	[tilespmem:$0x1FE00] =	vst v63  }
.LBB2_9:
.Ltmp9:
0xda: {  	(pc) =	sbr.rel @p0 .LBB2_13-.Ltmp9, $1  }
0xdb: {  	_ =	sdelay $0x3  }
.LBB2_10:
0xdc: {  	_ =	swait.ge [sflag:s25], $0x4000  }
0xdd: {  	[sflag:s25] =	ssyncset.done $0x0  }
0xde: {  	[sflag:s25] =	ssyncadd.s32 $0xFFFFC000  }
0xdf: {  	_ =	swait.ge [sflag:s26], $0x2000  }
0xe0: {  	[sflag:s26] =	ssyncset.done $0x0  }
0xe1: {  	s9 =	simm.s32 $0xA280;
	[sflag:s26] =	ssyncadd.s32 $0xFFFFE000  }
0xe2: {  	s8 =	simm.s32 $0x4300;
	v1 =	vld [tilespmem:s9+$0x70]  }
0xe3: {  	v2 =	vld [tilespmem:s8+$0xF0]  }
0xe4: {  	v3 =	vld [tilespmem:s9+$0xFFFFFF90]  }
0xe5: {  	v4 =	vld [tilespmem:s9+$0xFFFFFFA0]  }
0xe6: {  	v5 =	vld [tilespmem:s9+$0xFFFFFFB0]  }
0xe7: {  	v6 =	vld [tilespmem:s9+$0xFFFFFFC0]  }
0xe8: {  	v7 =	vld [tilespmem:s9+$0xFFFFFFD0]  }
0xe9: {  	v8 =	vld [tilespmem:s9+$0xFFFFFFE0]  }
0xea: {  	v11 =	vld [tilespmem:s9+$0xFFFFFFF0]  }
0xeb: {  	v9 =	vld [tilespmem:s9+$0xFFFFFF80]  }
0xec: {  	v10 =	vld [tilespmem:s8+$0xFFFFFF00]  }
0xed: {  	v12 =	vld [tilespmem:s8+$0xFFFFFF10]  }
0xee: {  	v13 =	vld [tilespmem:s8+$0xFFFFFF20]  }
0xef: {  	v14 =	vld [tilespmem:s8+$0xFFFFFF30]  }
0xf0: {  	v15 =	vld [tilespmem:s8+$0xFFFFFF40]  }
0xf1: {  	v17 =	vld [tilespmem:s8+$0xFFFFFF50]  }
0xf2: {  	v50 =	vld [tilespmem:s8+$0xFFFFFF60]  }
0xf3: {  	v18 =	vld [tilespmem:s8+$0xFFFFFF70]  }
0xf4: {  	v19 =	vld [tilespmem:s9+$0x0]  }
0xf5: {  	v51 =	vld [tilespmem:s9+$0x10]  }
0xf6: {  	v52 =	vld [tilespmem:s9+$0x30]  }
0xf7: {  	v53 =	vld [tilespmem:s9+$0x40]  }
0xf8: {  	v54 =	vld [tilespmem:s8+$0xFFFFFFD0];
	v16 =	vshll.u32 v9, $0x10;
	v9 =	vand.u32 $0xFFFF0000, v9;
	v20 =	vshll.u32 v3, $0x10  }
0xf9: {  	v55 =	vld [tilespmem:s8+$0xFFFFFFE0];
	v3 =	vand.u32 $0xFFFF0000, v3;
	v21 =	vshll.u32 v4, $0x10;
	v10 =	vadd.f32 v16, v10  }
0xfa: {  	v23 =	vld [tilespmem:s9+$0x60];
	v4 =	vand.u32 $0xFFFF0000, v4;
	v22 =	vshll.u32 v5, $0x10;
	v3 =	vadd.f32 v3, v14  }
0xfb: {  	v24 =	vld [tilespmem:s8+$0x10];
	v25 =	vshll.u32 v19, $0x10;
	v9 =	vadd.f32 v9, v12;
	v10 =	vmax.f32 v10, $0.0e+00  }
0xfc: {  	v5 =	vand.u32 $0xFFFF0000, v5;
	v12 =	vld [tilespmem:s8+$0xFFFFFF80];
	v3 =	vmax.f32 v3, $0.0e+00;
	[tilespmem:s8+$0xFFFFFF00] =	vst v10;
	v10 =	vadd.f32 v20, v13  }
0xfd: {  	v19 =	vand.u32 $0xFFFF0000, v19;
	v9 =	vmax.f32 v9, $0.0e+00;
	v13 =	vld [tilespmem:s8+$0xFFFFFF90];
	[tilespmem:s8+$0xFFFFFF30] =	vst v3;
	v3 =	vadd.f32 v4, v17  }
0xfe: {  	v26 =	vld [tilespmem:s8+$0x20];
	v27 =	vshll.u32 v6, $0x10;
	v16 =	vadd.f32 v22, v50;
	[tilespmem:s8+$0xFFFFFF10] =	vst v9;
	v9 =	vmax.f32 v10, $0.0e+00  }
0xff: {  	v28 =	vshll.u32 v51, $0x10;
	v10 =	vld [tilespmem:s8+$0xFFFFFFA0];
	v3 =	vmax.f32 v3, $0.0e+00;
	[tilespmem:s8+$0xFFFFFF20] =	vst v9;
	v9 =	vadd.f32 v21, v15  }
0x100: {  	v56 =	vld [tilespmem:s8+$0x30];
	v6 =	vand.u32 $0xFFFF0000, v6;
	v5 =	vadd.f32 v5, v18;
	[tilespmem:s8+$0xFFFFFF50] =	vst v3;
	v3 =	vmax.f32 v16, $0.0e+00  }
0x101: {  	v29 =	vshll.u32 v7, $0x10;
	v12 =	vadd.f32 v27, v12;
	[tilespmem:s8+$0xFFFFFF60] =	vst v3;
	v3 =	vld [tilespmem:s8+$0x0];
	v4 =	vmax.f32 v9, $0.0e+00  }
0x102: {  	v5 =	vmax.f32 v5, $0.0e+00;
	v15 =	vld [tilespmem:s8+$0xFFFFFFB0];
	v6 =	vadd.f32 v6, v13;
	[tilespmem:s8+$0xFFFFFF40] =	vst v4;
	v4 =	vand.u32 $0xFFFF0000, v1  }
0x103: {  	v58 =	vld [tilespmem:s8+$0x60];
	v7 =	vand.u32 $0xFFFF0000, v7;
	[tilespmem:s8+$0xFFFFFF70] =	vst v5;
	v12 =	vmax.f32 v12, $0.0e+00;
	v2 =	vadd.f32 v4, v2  }
0x104: {  	v60 =	vshll.u32 v52, $0x10;
	v14 =	vld [tilespmem:s9+$0x20];
	[tilespmem:s8+$0xFFFFFF80] =	vst v12;
	v10 =	vadd.f32 v29, v10;
	v6 =	vmax.f32 v6, $0.0e+00  }
0x105: {  	v61 =	vand.u32 $0xFFFF0000, v52;
	v9 =	vld [tilespmem:s8+$0xFFFFFFC0];
	[tilespmem:s8+$0xFFFFFF90] =	vst v6;
	v6 =	vadd.f32 v19, v24;
	v2 =	vmax.f32 v2, $0.0e+00  }
0x106: {  	v62 =	vshll.u32 v53, $0x10;
	v4 =	vld [tilespmem:s9+$0x50];
	v3 =	vadd.f32 v25, v3;
	v10 =	vmax.f32 v10, $0.0e+00;
	[tilespmem:s8+$0xF0] =	vst v2  }
0x107: {  	v20 =	vand.u32 $0xFFFF0000, v51;
	v13 =	vld [tilespmem:s8+$0x50];
	v7 =	vadd.f32 v7, v15;
	[tilespmem:s8+$0xFFFFFFA0] =	vst v10;
	v6 =	vmax.f32 v6, $0.0e+00  }
0x108: {  	v57 =	vld [tilespmem:s8+$0x40];
	v10 =	vadd.f32 v28, v26;
	v3 =	vmax.f32 v3, $0.0e+00;
	[tilespmem:s8+$0x10] =	vst v6;
	v6 =	vand.u32 $0xFFFF0000, v8  }
0x109: {  	v59 =	vld [tilespmem:s8+$0x80];
	v7 =	vmax.f32 v7, $0.0e+00;
	[tilespmem:s8+$0x0] =	vst v3;
	v3 =	vshll.u32 v8, $0x10;
	v6 =	vadd.f32 v6, v54  }
0x10a: {  	v5 =	vshll.u32 v14, $0x10;
	v12 =	vld [tilespmem:s8+$0x70];
	[tilespmem:s8+$0xFFFFFFB0] =	vst v7;
	v8 =	vmax.f32 v10, $0.0e+00;
	v3 =	vadd.f32 v3, v9  }
0x10b: {  	v14 =	vand.u32 $0xFFFF0000, v14;
	v2 =	vld [tilespmem:s8+$0xFFFFFFF0];
	v7 =	vadd.f32 v20, v56;
	[tilespmem:s8+$0x20] =	vst v8;
	v6 =	vmax.f32 v6, $0.0e+00  }
0x10c: {  	v3 =	vmax.f32 v3, $0.0e+00;
	[tilespmem:s8+$0xFFFFFFD0] =	vst v6;
	v6 =	vadd.f32 v14, v13;
	v13 =	vadd.f32 v60, v58  }
0x10d: {  	v8 =	vshll.u32 v11, $0x10;
	[tilespmem:s8+$0xFFFFFFC0] =	vst v3;
	v3 =	vadd.f32 v5, v57;
	v5 =	vmax.f32 v7, $0.0e+00  }
0x10e: {  	v1 =	vshll.u32 v1, $0x10;
	v15 =	vld [tilespmem:s8+$0x90];
	v7 =	vadd.f32 v8, v55;
	[tilespmem:s8+$0x30] =	vst v5;
	v63 =	vmax.f32 v13, $0.0e+00  }
0x10f: {  	v10 =	vld [tilespmem:s8+$0xA0];
	v14 =	vadd.f32 v61, v12;
	v5 =	vand.u32 $0xFFFF0000, v11;
	v3 =	vmax.f32 v3, $0.0e+00;
	[tilespmem:s8+$0x60] =	vst v63  }
0x110: {  	v9 =	vld [tilespmem:s8+$0xB0];
	v12 =	vadd.f32 v62, v59;
	v2 =	vadd.f32 v5, v2;
	v7 =	vmax.f32 v7, $0.0e+00;
	[tilespmem:s8+$0x40] =	vst v3  }
0x111: {  	v8 =	vld [tilespmem:s8+$0xC0];
	v11 =	vand.u32 $0xFFFF0000, v53;
	v13 =	vmax.f32 v14, $0.0e+00;
	[tilespmem:s8+$0xFFFFFFE0] =	vst v7;
	v3 =	vmax.f32 v6, $0.0e+00  }
0x112: {  	v5 =	vshll.u32 v4, $0x10;
	v4 =	vand.u32 $0xFFFF0000, v4;
	v7 =	vld [tilespmem:s8+$0xD0];
	v6 =	vmax.f32 v2, $0.0e+00;
	[tilespmem:s8+$0x50] =	vst v3  }
0x113: {  	s10 =	simm.s32 $0xA380;
	s11 =	simm.s32 $0x4300;
	s9 =	simm.s32 $0x0;
	v11 =	vadd.f32 v11, v15;
	v3 =	vshll.u32 v23, $0x10;
	v2 =	vand.u32 $0xFFFF0000, v23;
	[tilespmem:s8+$0xFFFFFFF0] =	vst v6;
	v6 =	vld [tilespmem:s8+$0xE0]  }
.LBB2_11:
0x114: {  	v14 =	vld [tilespmem:s10+$0x70];
	s9 =	sadd.s32 $0x2, s9;
	v12 =	vmax.f32 v12, $0.0e+00;
	v5 =	vadd.f32 v5, v10;
	[tilespmem:s8+$0x70] =	vst v13;
	s11 =	sadd.s32 $0x200, s11  }
0x115: {  	v10 =	vld [tilespmem:s11+$0xF0];
	p0 =	slt.u32 s9, $0x3E;
	v11 =	vmax.f32 v11, $0.0e+00;
	v4 =	vadd.f32 v4, v9;
	[tilespmem:s8+$0x80] =	vst v12  }
0x116: {  	v9 =	vld [tilespmem:s10+$0xFFFFFF90];
	v5 =	vmax.f32 v5, $0.0e+00;
	v3 =	vadd.f32 v3, v8;
	[tilespmem:s8+$0x90] =	vst v11  }
0x117: {  	v8 =	vld [tilespmem:s10+$0x0];
	v4 =	vmax.f32 v4, $0.0e+00;
	v2 =	vadd.f32 v2, v7;
	[tilespmem:s8+$0xA0] =	vst v5  }
0x118: {  	v5 =	vld [tilespmem:s10+$0x10];
	v3 =	vmax.f32 v3, $0.0e+00;
	v6 =	vadd.f32 v1, v6;
	[tilespmem:s8+$0xB0] =	vst v4  }
0x119: {  	v4 =	vld [tilespmem:s10+$0x20];
	v1 =	vshll.u32 v14, $0x10;
	v7 =	vand.u32 $0xFFFF0000, v14;
	v2 =	vmax.f32 v2, $0.0e+00;
	[tilespmem:s8+$0xC0] =	vst v3  }
0x11a: {  	v3 =	vld [tilespmem:s10+$0x30];
	v7 =	vadd.f32 v7, v10;
	v6 =	vmax.f32 v6, $0.0e+00;
	[tilespmem:s8+$0xD0] =	vst v2  }
0x11b: {  	v16 =	vshll.u32 v9, $0x10;
	v17 =	vand.u32 $0xFFFF0000, v9;
	v2 =	vld [tilespmem:s10+$0x40];
	[tilespmem:s8+$0xE0] =	vst v6;
	s8 =	smov.u32 s11  }
0x11c: {  	v15 =	vshll.u32 v8, $0x10;
	v14 =	vand.u32 $0xFFFF0000, v8;
	v18 =	vld [tilespmem:s10+$0x50];
	v6 =	vmax.f32 v7, $0.0e+00  }
0x11d: {  	v13 =	vshll.u32 v5, $0x10;
	v11 =	vand.u32 $0xFFFF0000, v5;
	v19 =	vld [tilespmem:s10+$0x60];
	[tilespmem:s11+$0xF0] =	vst v6  }
0x11e: {  	v20 =	vld [tilespmem:s10+$0xFFFFFFA0];
	v12 =	vshll.u32 v4, $0x10;
	v10 =	vand.u32 $0xFFFF0000, v4  }
0x11f: {  	v21 =	vld [tilespmem:s10+$0xFFFFFFB0];
	v9 =	vshll.u32 v3, $0x10;
	v8 =	vand.u32 $0xFFFF0000, v3  }
0x120: {  	v22 =	vld [tilespmem:s10+$0xFFFFFFC0];
	v7 =	vshll.u32 v2, $0x10;
	v6 =	vand.u32 $0xFFFF0000, v2  }
0x121: {  	v23 =	vld [tilespmem:s10+$0xFFFFFFD0];
	v5 =	vshll.u32 v18, $0x10;
	v4 =	vand.u32 $0xFFFF0000, v18  }
0x122: {  	v18 =	vld [tilespmem:s10+$0xFFFFFFE0];
	v3 =	vshll.u32 v19, $0x10;
	v2 =	vand.u32 $0xFFFF0000, v19  }
0x123: {  	v19 =	vshll.u32 v20, $0x10;
	v20 =	vand.u32 $0xFFFF0000, v20;
	v24 =	vld [tilespmem:s10+$0xFFFFFFF0]  }
0x124: {  	v25 =	vld [tilespmem:s10+$0xFFFFFF80];
	v26 =	vshll.u32 v21, $0x10;
	v21 =	vand.u32 $0xFFFF0000, v21  }
0x125: {  	v27 =	vld [tilespmem:s11+$0xFFFFFF00];
	v28 =	vshll.u32 v22, $0x10;
	v22 =	vand.u32 $0xFFFF0000, v22  }
0x126: {  	v29 =	vld [tilespmem:s11+$0xFFFFFF10];
	v30 =	vshll.u32 v23, $0x10;
	v23 =	vand.u32 $0xFFFF0000, v23  }
0x127: {  	v31 =	vld [tilespmem:s11+$0xFFFFFF20];
	v32 =	vshll.u32 v18, $0x10;
	v18 =	vand.u32 $0xFFFF0000, v18  }
0x128: {  	v33 =	vld [tilespmem:s11+$0xFFFFFF30];
	v34 =	vshll.u32 v24, $0x10;
	v24 =	vand.u32 $0xFFFF0000, v24  }
0x129: {  	v35 =	vshll.u32 v25, $0x10;
	v25 =	vand.u32 $0xFFFF0000, v25;
	v36 =	vld [tilespmem:s11+$0xFFFFFF40]  }
0x12a: {  	v27 =	vadd.f32 v35, v27;
	v35 =	vld [tilespmem:s11+$0xFFFFFF50]  }
0x12b: {  	v25 =	vadd.f32 v25, v29;
	v29 =	vld [tilespmem:s11+$0xFFFFFF60]  }
0x12c: {  	v27 =	vmax.f32 v27, $0.0e+00;
	v16 =	vadd.f32 v16, v31;
	v31 =	vld [tilespmem:s11+$0xFFFFFF70]  }
0x12d: {  	v25 =	vmax.f32 v25, $0.0e+00;
	v17 =	vadd.f32 v17, v33;
	v33 =	vld [tilespmem:s11+$0xFFFFFF80];
	[tilespmem:s11+$0xFFFFFF00] =	vst v27  }
0x12e: {  	v16 =	vmax.f32 v16, $0.0e+00;
	v19 =	vadd.f32 v19, v36;
	v27 =	vld [tilespmem:s11+$0xFFFFFF90];
	[tilespmem:s11+$0xFFFFFF10] =	vst v25  }
0x12f: {  	v17 =	vmax.f32 v17, $0.0e+00;
	v20 =	vadd.f32 v20, v35;
	v25 =	vld [tilespmem:s11+$0xFFFFFFA0];
	[tilespmem:s11+$0xFFFFFF20] =	vst v16  }
0x130: {  	v16 =	vmax.f32 v19, $0.0e+00;
	v19 =	vadd.f32 v26, v29;
	v26 =	vld [tilespmem:s11+$0xFFFFFFB0];
	[tilespmem:s11+$0xFFFFFF30] =	vst v17  }
0x131: {  	v17 =	vmax.f32 v20, $0.0e+00;
	v20 =	vadd.f32 v21, v31;
	v21 =	vld [tilespmem:s11+$0xFFFFFFC0];
	[tilespmem:s11+$0xFFFFFF40] =	vst v16  }
0x132: {  	v16 =	vmax.f32 v19, $0.0e+00;
	v19 =	vadd.f32 v28, v33;
	v28 =	vld [tilespmem:s11+$0xFFFFFFD0];
	[tilespmem:s11+$0xFFFFFF50] =	vst v17  }
0x133: {  	v17 =	vmax.f32 v20, $0.0e+00;
	v20 =	vadd.f32 v22, v27;
	v22 =	vld [tilespmem:s11+$0xFFFFFFE0];
	[tilespmem:s11+$0xFFFFFF60] =	vst v16  }
0x134: {  	v16 =	vmax.f32 v19, $0.0e+00;
	v19 =	vadd.f32 v30, v25;
	v25 =	vld [tilespmem:s11+$0xFFFFFFF0];
	[tilespmem:s11+$0xFFFFFF70] =	vst v17  }
0x135: {  	v17 =	vmax.f32 v20, $0.0e+00;
	v20 =	vadd.f32 v23, v26;
	[tilespmem:s11+$0xFFFFFF80] =	vst v16;
	v16 =	vld [tilespmem:s11+$0x0]  }
0x136: {  	v19 =	vmax.f32 v19, $0.0e+00;
	v21 =	vadd.f32 v32, v21;
	[tilespmem:s11+$0xFFFFFF90] =	vst v17;
	v17 =	vld [tilespmem:s11+$0x10]  }
0x137: {  	v20 =	vmax.f32 v20, $0.0e+00;
	v18 =	vadd.f32 v18, v28;
	[tilespmem:s11+$0xFFFFFFA0] =	vst v19;
	v19 =	vld [tilespmem:s11+$0x20]  }
0x138: {  	v21 =	vmax.f32 v21, $0.0e+00;
	v22 =	vadd.f32 v34, v22;
	[tilespmem:s11+$0xFFFFFFB0] =	vst v20;
	v20 =	vld [tilespmem:s11+$0x30]  }
0x139: {  	v18 =	vmax.f32 v18, $0.0e+00;
	v23 =	vadd.f32 v24, v25;
	[tilespmem:s11+$0xFFFFFFC0] =	vst v21;
	v21 =	vld [tilespmem:s11+$0x40]  }
0x13a: {  	v22 =	vmax.f32 v22, $0.0e+00;
	[tilespmem:s11+$0xFFFFFFD0] =	vst v18;
	v15 =	vadd.f32 v15, v16;
	v16 =	vld [tilespmem:s11+$0x50]  }
0x13b: {  	v18 =	vmax.f32 v23, $0.0e+00;
	[tilespmem:s11+$0xFFFFFFE0] =	vst v22;
	v14 =	vadd.f32 v14, v17;
	v17 =	vld [tilespmem:s11+$0x60]  }
0x13c: {  	[tilespmem:s11+$0xFFFFFFF0] =	vst v18;
	v15 =	vmax.f32 v15, $0.0e+00;
	v13 =	vadd.f32 v13, v19;
	v18 =	vld [tilespmem:s11+$0x70]  }
0x13d: {  	v14 =	vmax.f32 v14, $0.0e+00;
	v11 =	vadd.f32 v11, v20;
	v19 =	vld [tilespmem:s11+$0x80];
	[tilespmem:s11+$0x0] =	vst v15  }
0x13e: {  	v13 =	vmax.f32 v13, $0.0e+00;
	v12 =	vadd.f32 v12, v21;
	v15 =	vld [tilespmem:s11+$0x90];
	[tilespmem:s11+$0x10] =	vst v14  }
.Ltmp10:
0x13f: {  	v11 =	vmax.f32 v11, $0.0e+00;
	v14 =	vadd.f32 v10, v16;
	v10 =	vld [tilespmem:s11+$0xA0];
	[tilespmem:s11+$0x20] =	vst v13;
	(pc) =	sbr.rel @p0 .LBB2_11-.Ltmp10, $4  }
0x140: {  	v12 =	vmax.f32 v12, $0.0e+00;
	v13 =	vadd.f32 v9, v17;
	v9 =	vld [tilespmem:s11+$0xB0];
	[tilespmem:s11+$0x30] =	vst v11  }
0x141: {  	v11 =	vmax.f32 v14, $0.0e+00;
	v14 =	vadd.f32 v8, v18;
	v8 =	vld [tilespmem:s11+$0xC0];
	[tilespmem:s11+$0x40] =	vst v12  }
0x142: {  	v16 =	vmax.f32 v13, $0.0e+00;
	v12 =	vadd.f32 v7, v19;
	v7 =	vld [tilespmem:s11+$0xD0];
	[tilespmem:s11+$0x50] =	vst v11  }
0x143: {  	s10 =	sadd.s32 $0x100, s10;
	v13 =	vmax.f32 v14, $0.0e+00;
	v11 =	vadd.f32 v6, v15;
	v6 =	vld [tilespmem:s11+$0xE0];
	[tilespmem:s11+$0x60] =	vst v16  }
0x144: {  	v12 =	vmax.f32 v12, $0.0e+00;
	v5 =	vadd.f32 v5, v10;
	[tilespmem:s8+$0x70] =	vst v13  }
0x145: {  	v63 =	vmax.f32 v11, $0.0e+00;
	v4 =	vadd.f32 v4, v9;
	[tilespmem:s8+$0x80] =	vst v12  }
0x146: {  	v5 =	vmax.f32 v5, $0.0e+00;
	v3 =	vadd.f32 v3, v8;
	[tilespmem:s8+$0x90] =	vst v63  }
0x147: {  	v4 =	vmax.f32 v4, $0.0e+00;
	v2 =	vadd.f32 v2, v7;
	[tilespmem:s8+$0xA0] =	vst v5  }
0x148: {  	v3 =	vmax.f32 v3, $0.0e+00;
	v1 =	vadd.f32 v1, v6;
	[tilespmem:s8+$0xB0] =	vst v4  }
0x149: {  	v2 =	vmax.f32 v2, $0.0e+00;
	[tilespmem:s8+$0xC0] =	vst v3  }
.Ltmp11:
0x14a: {  	p0 =	sgt.u32 s2, $0x963;
	v1 =	vmax.f32 v1, $0.0e+00;
	[tilespmem:s8+$0xD0] =	vst v2;
	(pc) =	sbr.rel .LBB2_13-.Ltmp11, $4  }
0x14b: {  	s2 =	sshll.u32 @!p0 s2, $0xA;
	[tilespmem:s8+$0xE0] =	vst v1  }
0x14c: {  	[spmem:s4] =	stream.indirect.scatter.add.f32 [tilespmem:s29], [sflag:$0x4], $0x80, s28, s24, $0xb8;
	[tilespmem:$0x1FE00] =	vst v63  }
0x14d: {  	s9 =	simm.s32 @!p0 $0xA200;
	s2 =	sadd.s32 @!p0 s2, s15;
	s8 =	simm.s32 @!p0 $0x0  }
0x14e: {  	[tilespmem:s9], [sflag:$0x6] =	stream.linear.gather @!p0 [hbm4b:s2+s8], $0x2000, $0x38;
	[tilespmem:$0x1FE00] =	vst v63  }
.LBB2_15:
0x14f: {  	_ =	sfence.sel $0x180000  }
0x150: {  	[bflag:$0x0] =	sbarrier.arrive $0xFFFF  }
0x151: {  	_ =	strace $0x90000047  }
0x152: {  	s0 =	stileid.u32;
	[bflag:$0x2] =	sbarrier.arrive $0xFFFF  }
0x153: {  	p0 =	sne.s32 s0, $0x0;
	s0 =	rddreg [dreg:$0x4]  }
0x154: {  	s0 =	sadd.s32 @!p0 $0x100000, s0  }
0x155: {  	[sflag:s0] =	ssyncadd.tile.s32 @!p0 $0x1;
	_ =	shalt  }
.Lfunc_end2:
_tile_overlayer_lowered:
.L_overlay_start_2:
0x156: {  	(tag) =	ssettag $0x2  }
0x157: {  	s0 =	rddreg [dreg:$0x0];
	s2 =	stileid.u32  }
0x158: {  	s1 =	rddreg [dreg:$0x1];
	p0 =	sne.s32 s2, $0x0  }
0x159: {  	s3 =	rddreg [dreg:$0x2];
	[bflag:$0x3] =	sbarrier.arrive $0xFFFF;
	s2 =	simm.s32 @!p0 $0x1C07  }
0x15a: {  	[timem:s3], [sflag:s2] =	dma.local @!p0 [hbm:s0], s1  }
0x15b: {  	s0 =	simm.s32 @!p0 $0x7  }
0x15c: {  	_ =	swait.ge @!p0 [sflag:s0], s1  }
0x15d: {  	s1 =	ssub.s32 @!p0 $0x0, s1;
	[sflag:s0] =	ssyncset.done @!p0 $0x0  }
0x15e: {  	[sflag:s0] =	ssyncadd.s32 @!p0 s1  }
0x15f: {  	[bflag:$0x3] =	sbarrier.arrive $0xFFFF  }
0x160: {  	_ =	shalt  }

</sc_bundles>
